<compile_context>
chip_gen: v7x
topology: tpu7x:2x2x1
jax: 0.10.2.dev20260603
libtpu: 0.0.44.dev20260713+nightly
codegen_flags: <defaults>
</compile_context>

<pallas_src>
import functools

import numpy as np
import jax
import jax.numpy as jnp
from jax import lax
from jax.experimental import pallas as pl
from jax.experimental.pallas import tpu as pltpu
from jax.experimental.pallas import tpu_sc as plsc

_MAXLEN = 200
_EMBED = 64
_BATCH = 1024
_ROWS = _BATCH * _MAXLEN
_NC, _NS, _LANES = 2, 16, 16
_NW = _NC * _NS
_BPW = _ROWS // _NW
_CHUNK = 128
_NCHUNK = _BPW // _CHUNK
_VPR = _EMBED // _LANES
_NBUF = 5
_PREF = 3


def _pos_table_np():
    pos = np.arange(_MAXLEN)[:, None].astype(np.float64)
    j = np.arange(_EMBED)[None, :]
    angle = pos / np.power(10000.0, 2.0 * (j // 2) / _EMBED)
    return np.where(j % 2 == 0, np.sin(angle), np.cos(angle)).astype(np.float32)


def _sc_embed(x3, table, pos):
    mesh = plsc.VectorSubcoreMesh(core_axis_name="c", subcore_axis_name="s")

    @functools.partial(
        pl.kernel,
        mesh=mesh,
        compiler_params=pltpu.CompilerParams(use_tc_tiling_on_sc=False),
        out_type=jax.ShapeDtypeStruct((_ROWS, _EMBED), jnp.float32),
        scratch_types=[
            pltpu.VMEM((_NCHUNK, _CHUNK), jnp.int32),
            pltpu.VMEM((2 * _MAXLEN, _EMBED), jnp.float32),
            pltpu.VMEM((_NBUF, _CHUNK, _EMBED), jnp.float32),
        ]
        + [pltpu.SemaphoreType.DMA] * (2 * _NBUF),
    )
    def k(x_hbm, tab_hbm, pos_hbm, out_hbm, idx_v, pos_v, bufs, *sems):
        gsems = sems[:_NBUF]
        osems = sems[_NBUF:]
        wid = lax.axis_index("s") * _NC + lax.axis_index("c")
        pltpu.sync_copy(x_hbm.at[wid], idx_v)
        pltpu.sync_copy(pos_hbm, pos_v)
        base = wid * _BPW

        for s in range(_PREF):
            pltpu.async_copy(tab_hbm.at[idx_v.at[s]], bufs.at[s], gsems[s])

        def group_body(g, carry):
            for s in range(_NBUF):
                c = g * _NBUF + s
                pltpu.make_async_copy(
                    tab_hbm.at[idx_v.at[0]], bufs.at[s], gsems[s]
                ).wait()

                pstart = lax.rem(c * _CHUNK, _MAXLEN)

                @plsc.parallel_loop(0, _CHUNK, 1, unroll=8)
                def _row_body(r):
                    for q in range(_VPR):
                        sl = pl.ds(q * _LANES, _LANES)
                        pv = pos_v[pstart + r, sl]
                        plsc.addupdate(bufs.at[s].at[r, sl], pv)

                pltpu.async_copy(
                    bufs.at[s],
                    out_hbm.at[pl.ds(base + c * _CHUNK, _CHUNK)],
                    osems[s],
                )

                p = c + _PREF
                sp = (s + _PREF) % _NBUF

                @pl.when(jnp.logical_and(c >= _NBUF - _PREF, c < _NCHUNK - _PREF))
                def _wait_slot():
                    pltpu.make_async_copy(
                        bufs.at[sp],
                        out_hbm.at[pl.ds(base, _CHUNK)],
                        osems[sp],
                    ).wait()

                @pl.when(c < _NCHUNK - _PREF)
                def _prefetch():
                    pltpu.async_copy(
                        tab_hbm.at[idx_v.at[p]], bufs.at[sp], gsems[sp]
                    )

            return carry

        lax.fori_loop(0, _NCHUNK // _NBUF, group_body, 0)

        for s in range(_NBUF):
            pltpu.make_async_copy(
                bufs.at[s], out_hbm.at[pl.ds(base, _CHUNK)], osems[s]
            ).wait()

    return k(x3, table, pos)


def kernel(x, token_table):
    pos = jnp.asarray(np.tile(_pos_table_np(), (2, 1)))
    xf = x.reshape(_NW, _NCHUNK, _CHUNK).astype(jnp.int32)
    out = _sc_embed(xf, token_table, pos)
    return out.reshape(_BATCH, _MAXLEN, _EMBED)

# --- scband reference (transcript-rebuilt; emitter-appended) ---
"""Pipeline reference for scband-input-embedding-33706903339332 (READ-ONLY COPY).

The authoritative reference and input builder live on the scoring server;
editing this copy changes nothing except your own understanding.
"""

import jax, jax.numpy as jnp
import numpy as np

MAXLEN = 200
VOCAB_SIZE = 1000000
EMBED_DIM = 64


def get_positional_encodings(num_positions, emb_dim):
    pos = np.arange(num_positions)[:, None].astype(np.float64)
    j = np.arange(emb_dim)[None, :]
    angle = pos / np.power(10000.0, 2.0 * (j // 2) / emb_dim)
    table = np.where(j % 2 == 0, np.sin(angle), np.cos(angle))
    return jnp.asarray(table, dtype=jnp.float32)


def setup_inputs(seed: int = 0) -> dict:
    key = jax.random.key(seed)
    k1, k2 = jax.random.split(key)
    x = jax.random.randint(k1, (1024, 200), 0, VOCAB_SIZE, dtype=jnp.int64 if jax.config.jax_enable_x64 else jnp.int32)
    # token embedding table (learned parameter); keras Embedding default init is uniform(-0.05, 0.05)
    token_table = jax.random.uniform(k2, (VOCAB_SIZE, EMBED_DIM), dtype=jnp.float32, minval=-0.05, maxval=0.05)
    return {"x": x, "token_table": token_table}


def reference(x, token_table):
    pos_emb = get_positional_encodings(MAXLEN, EMBED_DIM)
    emb = jnp.take(token_table, x, axis=0)  # [B, L, D] gather
    return emb + pos_emb  # broadcast [L, D] over batch

if __name__ == "__main__":
    import jax
    _d = setup_inputs()
    print(jax.jit(kernel)(*tuple(_d.values())))

</pallas_src>

<mosaic_0001>
#map = affine_map<(d0, d1) -> (0, 0, 0)>
#map1 = affine_map<(d0, d1) -> (0, 0)>
module attributes {stable_mosaic.version = 14 : i64} {
  func.func @k(%arg0: i32, %arg1: i32, %arg2: memref<32x50x128xi32, #tpu.memory_space<hbm>>, %arg3: memref<1000000x64xf32, #tpu.memory_space<hbm>>, %arg4: memref<400x64xf32, #tpu.memory_space<hbm>>, %arg5: memref<204800x64xf32, #tpu.memory_space<hbm>>, %arg6: memref<50x128xi32, #tpu.memory_space<vmem>>, %arg7: memref<400x64xf32, #tpu.memory_space<vmem>>, %arg8: memref<5x128x64xf32, #tpu.memory_space<vmem>>, %arg9: memref<!tpu.dma_semaphore, #tpu.memory_space<semaphore_mem>>, %arg10: memref<!tpu.dma_semaphore, #tpu.memory_space<semaphore_mem>>, %arg11: memref<!tpu.dma_semaphore, #tpu.memory_space<semaphore_mem>>, %arg12: memref<!tpu.dma_semaphore, #tpu.memory_space<semaphore_mem>>, %arg13: memref<!tpu.dma_semaphore, #tpu.memory_space<semaphore_mem>>, %arg14: memref<!tpu.dma_semaphore, #tpu.memory_space<semaphore_mem>>, %arg15: memref<!tpu.dma_semaphore, #tpu.memory_space<semaphore_mem>>, %arg16: memref<!tpu.dma_semaphore, #tpu.memory_space<semaphore_mem>>, %arg17: memref<!tpu.dma_semaphore, #tpu.memory_space<semaphore_mem>>, %arg18: memref<!tpu.dma_semaphore, #tpu.memory_space<semaphore_mem>>) attributes {dimension_semantics = [#tpu.dimension_semantics<core_parallel>, #tpu.dimension_semantics<subcore_parallel>], iteration_bounds = array<i64: 2, 16>, scalar_prefetch = 0 : i64, scratch_operands = 13 : i64, tpu.core_type = #tpu.core_type<sc_vector_subcore>, window_params = [{transform_indices = #map}, {transform_indices = #map1}, {transform_indices = #map1}, {transform_indices = #map1}]} {
    %mul3A = arith.constant 2 : i32
    %mul3A_0 = arith.muli %arg1, %mul3A : i32
    %add3A = arith.addi %mul3A_0, %arg0 : i32
    "tpu.region"() ({
      %run_scoped3A = tpu.sem_alloc : memref<!tpu.dma_semaphore, #tpu.memory_space<semaphore_mem>>
      %dma_start3A_107 = arith.constant 0 : i32
      %dma_start3A_108 = arith.constant 0 : i32
      %dma_start3A_109 = tpu.memref_slice %arg2[%add3A, %dma_start3A_107, %dma_start3A_108] : memref<32x50x128xi32, #tpu.memory_space<hbm>> -> memref<1x50x128xi32, #tpu.memory_space<hbm>>
      %dma_start3A_110 = tpu.memref_squeeze %dma_start3A_109 : memref<1x50x128xi32, #tpu.memory_space<hbm>> -> memref<50x128xi32, #tpu.memory_space<hbm>>
      %dma_start3A_111 = arith.constant 0 : i32
      %dma_start3A_112 = arith.constant 0 : i32
      %dma_start3A_113 = tpu.memref_slice %arg2[%add3A, %dma_start3A_111, %dma_start3A_112] : memref<32x50x128xi32, #tpu.memory_space<hbm>> -> memref<1x50x128xi32, #tpu.memory_space<hbm>>
      %dma_start3A_114 = tpu.memref_squeeze %dma_start3A_113 : memref<1x50x128xi32, #tpu.memory_space<hbm>> -> memref<50x128xi32, #tpu.memory_space<hbm>>
      tpu.enqueue_dma source(%dma_start3A_114 : memref<50x128xi32, #tpu.memory_space<hbm>>) target(%arg6 : memref<50x128xi32, #tpu.memory_space<vmem>>) target_semaphore(%run_scoped3A : memref<!tpu.dma_semaphore, #tpu.memory_space<semaphore_mem>>)
      %dma_wait3A_115 = arith.constant 0 : i32
      %dma_wait3A_116 = arith.constant 0 : i32
      %dma_wait3A_117 = tpu.memref_slice %arg2[%add3A, %dma_wait3A_115, %dma_wait3A_116] : memref<32x50x128xi32, #tpu.memory_space<hbm>> -> memref<1x50x128xi32, #tpu.memory_space<hbm>>
      %dma_wait3A_118 = tpu.memref_squeeze %dma_wait3A_117 : memref<1x50x128xi32, #tpu.memory_space<hbm>> -> memref<50x128xi32, #tpu.memory_space<hbm>>
      %dma_wait3A_119 = arith.constant 0 : i32
      %dma_wait3A_120 = arith.constant 0 : i32
      %dma_wait3A_121 = tpu.memref_slice %arg2[%add3A, %dma_wait3A_119, %dma_wait3A_120] : memref<32x50x128xi32, #tpu.memory_space<hbm>> -> memref<1x50x128xi32, #tpu.memory_space<hbm>>
      %dma_wait3A_122 = tpu.memref_squeeze %dma_wait3A_121 : memref<1x50x128xi32, #tpu.memory_space<hbm>> -> memref<50x128xi32, #tpu.memory_space<hbm>>
      tpu.wait_dma2 semaphore(%run_scoped3A : memref<!tpu.dma_semaphore, #tpu.memory_space<semaphore_mem>>) src(%dma_wait3A_122 : memref<50x128xi32, #tpu.memory_space<hbm>>) dst(%arg6 : memref<50x128xi32, #tpu.memory_space<vmem>>)
      tpu.yield
    }) : () -> ()
    "tpu.region"() ({
      %run_scoped3A = tpu.sem_alloc : memref<!tpu.dma_semaphore, #tpu.memory_space<semaphore_mem>>
      tpu.enqueue_dma source(%arg4 : memref<400x64xf32, #tpu.memory_space<hbm>>) target(%arg7 : memref<400x64xf32, #tpu.memory_space<vmem>>) target_semaphore(%run_scoped3A : memref<!tpu.dma_semaphore, #tpu.memory_space<semaphore_mem>>)
      tpu.wait_dma2 semaphore(%run_scoped3A : memref<!tpu.dma_semaphore, #tpu.memory_space<semaphore_mem>>) src(%arg4 : memref<400x64xf32, #tpu.memory_space<hbm>>) dst(%arg7 : memref<400x64xf32, #tpu.memory_space<vmem>>)
      tpu.yield
    }) : () -> ()
    %mul3A_1 = arith.constant 6400 : i32
    %mul3A_2 = arith.muli %add3A, %mul3A_1 : i32
    %dma_start3A = arith.constant 0 : i32
    %dma_start3A_3 = arith.constant 0 : i32
    %dma_start3A_4 = arith.constant 0 : i32
    %dma_start3A_5 = arith.constant 0 : i32
    %dma_start3A_6 = tpu.memref_slice %arg8[%dma_start3A_3, %dma_start3A_4, %dma_start3A_5] : memref<5x128x64xf32, #tpu.memory_space<vmem>> -> memref<1x128x64xf32, #tpu.memory_space<vmem>>
    %dma_start3A_7 = tpu.memref_squeeze %dma_start3A_6 : memref<1x128x64xf32, #tpu.memory_space<vmem>> -> memref<128x64xf32, #tpu.memory_space<vmem>>
    %dma_start3A_8 = arith.constant 0 : i32
    %dma_start3A_9 = tpu.memref_slice %arg6[%dma_start3A, %dma_start3A_8] : memref<50x128xi32, #tpu.memory_space<vmem>> -> memref<1x128xi32, #tpu.memory_space<vmem>>
    %dma_start3A_10 = tpu.memref_squeeze %dma_start3A_9 : memref<1x128xi32, #tpu.memory_space<vmem>> -> memref<128xi32, #tpu.memory_space<vmem>>
    %dma_start3A_11 = arith.constant 0 : i32
    %dma_start3A_12 = arith.constant 0 : i32
    %dma_start3A_13 = tpu.memref_slice %arg3[%dma_start3A_11, %dma_start3A_12] : memref<1000000x64xf32, #tpu.memory_space<hbm>> -> memref<1000000x64xf32, #tpu.memory_space<hbm>>
    tpu.enqueue_indirect_dma source(%dma_start3A_13 : memref<1000000x64xf32, #tpu.memory_space<hbm>>) target(%dma_start3A_7 : memref<128x64xf32, #tpu.memory_space<vmem>>) offsets(%dma_start3A_10 : memref<128xi32, #tpu.memory_space<vmem>>) semaphore(%arg9 : memref<!tpu.dma_semaphore, #tpu.memory_space<semaphore_mem>>)
    %dma_start3A_14 = arith.constant 1 : i32
    %dma_start3A_15 = arith.constant 1 : i32
    %dma_start3A_16 = arith.constant 0 : i32
    %dma_start3A_17 = arith.constant 0 : i32
    %dma_start3A_18 = tpu.memref_slice %arg8[%dma_start3A_15, %dma_start3A_16, %dma_start3A_17] : memref<5x128x64xf32, #tpu.memory_space<vmem>> -> memref<1x128x64xf32, #tpu.memory_space<vmem>>
    %dma_start3A_19 = tpu.memref_squeeze %dma_start3A_18 : memref<1x128x64xf32, #tpu.memory_space<vmem>> -> memref<128x64xf32, #tpu.memory_space<vmem>>
    %dma_start3A_20 = arith.constant 0 : i32
    %dma_start3A_21 = tpu.memref_slice %arg6[%dma_start3A_14, %dma_start3A_20] : memref<50x128xi32, #tpu.memory_space<vmem>> -> memref<1x128xi32, #tpu.memory_space<vmem>>
    %dma_start3A_22 = tpu.memref_squeeze %dma_start3A_21 : memref<1x128xi32, #tpu.memory_space<vmem>> -> memref<128xi32, #tpu.memory_space<vmem>>
    %dma_start3A_23 = arith.constant 0 : i32
    %dma_start3A_24 = arith.constant 0 : i32
    %dma_start3A_25 = tpu.memref_slice %arg3[%dma_start3A_23, %dma_start3A_24] : memref<1000000x64xf32, #tpu.memory_space<hbm>> -> memref<1000000x64xf32, #tpu.memory_space<hbm>>
    tpu.enqueue_indirect_dma source(%dma_start3A_25 : memref<1000000x64xf32, #tpu.memory_space<hbm>>) target(%dma_start3A_19 : memref<128x64xf32, #tpu.memory_space<vmem>>) offsets(%dma_start3A_22 : memref<128xi32, #tpu.memory_space<vmem>>) semaphore(%arg10 : memref<!tpu.dma_semaphore, #tpu.memory_space<semaphore_mem>>)
    %dma_start3A_26 = arith.constant 2 : i32
    %dma_start3A_27 = arith.constant 2 : i32
    %dma_start3A_28 = arith.constant 0 : i32
    %dma_start3A_29 = arith.constant 0 : i32
    %dma_start3A_30 = tpu.memref_slice %arg8[%dma_start3A_27, %dma_start3A_28, %dma_start3A_29] : memref<5x128x64xf32, #tpu.memory_space<vmem>> -> memref<1x128x64xf32, #tpu.memory_space<vmem>>
    %dma_start3A_31 = tpu.memref_squeeze %dma_start3A_30 : memref<1x128x64xf32, #tpu.memory_space<vmem>> -> memref<128x64xf32, #tpu.memory_space<vmem>>
    %dma_start3A_32 = arith.constant 0 : i32
    %dma_start3A_33 = tpu.memref_slice %arg6[%dma_start3A_26, %dma_start3A_32] : memref<50x128xi32, #tpu.memory_space<vmem>> -> memref<1x128xi32, #tpu.memory_space<vmem>>
    %dma_start3A_34 = tpu.memref_squeeze %dma_start3A_33 : memref<1x128xi32, #tpu.memory_space<vmem>> -> memref<128xi32, #tpu.memory_space<vmem>>
    %dma_start3A_35 = arith.constant 0 : i32
    %dma_start3A_36 = arith.constant 0 : i32
    %dma_start3A_37 = tpu.memref_slice %arg3[%dma_start3A_35, %dma_start3A_36] : memref<1000000x64xf32, #tpu.memory_space<hbm>> -> memref<1000000x64xf32, #tpu.memory_space<hbm>>
    tpu.enqueue_indirect_dma source(%dma_start3A_37 : memref<1000000x64xf32, #tpu.memory_space<hbm>>) target(%dma_start3A_31 : memref<128x64xf32, #tpu.memory_space<vmem>>) offsets(%dma_start3A_34 : memref<128xi32, #tpu.memory_space<vmem>>) semaphore(%arg11 : memref<!tpu.dma_semaphore, #tpu.memory_space<semaphore_mem>>)
    %scan3A = arith.constant 0 : i32
    %scan3A_38 = arith.constant 0 : i32
    %scan3A_39 = arith.constant 10 : i32
    %scan3A_40 = arith.addi %scan3A_38, %scan3A_39 : i32
    %scan3A_41 = arith.constant 1 : i32
    scf.for %scan3A_107 = %scan3A_38 to %scan3A_40 step %scan3A_41  : i32 {
      %mul3A_108 = arith.constant 5 : i32
      %mul3A_109 = arith.muli %scan3A_107, %mul3A_108 : i32
      %add3A_110 = arith.constant 0 : i32
      %add3A_111 = arith.addi %mul3A_109, %add3A_110 : i32
      %dma_wait3A_112 = arith.constant 0 : i32
      %dma_wait3A_113 = arith.constant 0 : i32
      %dma_wait3A_114 = arith.constant 0 : i32
      %dma_wait3A_115 = arith.constant 0 : i32
      %dma_wait3A_116 = tpu.memref_slice %arg8[%dma_wait3A_113, %dma_wait3A_114, %dma_wait3A_115] : memref<5x128x64xf32, #tpu.memory_space<vmem>> -> memref<1x128x64xf32, #tpu.memory_space<vmem>>
      %dma_wait3A_117 = tpu.memref_squeeze %dma_wait3A_116 : memref<1x128x64xf32, #tpu.memory_space<vmem>> -> memref<128x64xf32, #tpu.memory_space<vmem>>
      %dma_wait3A_118 = arith.constant 0 : i32
      %dma_wait3A_119 = tpu.memref_slice %arg6[%dma_wait3A_112, %dma_wait3A_118] : memref<50x128xi32, #tpu.memory_space<vmem>> -> memref<1x128xi32, #tpu.memory_space<vmem>>
      %dma_wait3A_120 = tpu.memref_squeeze %dma_wait3A_119 : memref<1x128xi32, #tpu.memory_space<vmem>> -> memref<128xi32, #tpu.memory_space<vmem>>
      %dma_wait3A_121 = arith.constant 0 : i32
      %dma_wait3A_122 = arith.constant 0 : i32
      %dma_wait3A_123 = tpu.memref_slice %arg3[%dma_wait3A_121, %dma_wait3A_122] : memref<1000000x64xf32, #tpu.memory_space<hbm>> -> memref<1000000x64xf32, #tpu.memory_space<hbm>>
      tpu.wait_indirect_dma semaphore(%arg9 : memref<!tpu.dma_semaphore, #tpu.memory_space<semaphore_mem>>) src(%dma_wait3A_123 : memref<1000000x64xf32, #tpu.memory_space<hbm>>) dst(%dma_wait3A_117 : memref<128x64xf32, #tpu.memory_space<vmem>>)
      %mul3A_124 = arith.constant 128 : i32
      %mul3A_125 = arith.muli %add3A_111, %mul3A_124 : i32
      %rem3A = arith.constant 200 : i32
      %rem3A_126 = arith.remsi %mul3A_125, %rem3A : i32
      %parallel_loop3A = arith.constant 0 : i32
      %parallel_loop3A_127 = arith.constant 128 : i32
      %parallel_loop3A_128 = arith.constant 1 : i32
      scf.for %parallel_loop3A_371 = %parallel_loop3A to %parallel_loop3A_127 step %parallel_loop3A_128  : i32 {
        %parallel_loop3A_372 = arith.addi %rem3A_126, %parallel_loop3A_371 : i32
        %parallel_loop3A_373 = arith.index_cast %parallel_loop3A_372 : i32 to index
        %parallel_loop3A_374 = arith.constant 0 : index
        %parallel_loop3A_375 = tpu.vector_load %arg7[%parallel_loop3A_373, %parallel_loop3A_374] {strides = array<i32>} : memref<400x64xf32, #tpu.memory_space<vmem>>, vector<1x16xf32>,
        %parallel_loop3A_376 = vector.shape_cast %parallel_loop3A_375 : vector<1x16xf32> to vector<16xf32>
        %parallel_loop3A_377 = arith.constant 0 : i32
        %parallel_loop3A_378 = arith.constant 0 : i32
        %parallel_loop3A_379 = arith.constant 0 : i32
        %parallel_loop3A_380 = tpu.memref_slice %arg8[%parallel_loop3A_377, %parallel_loop3A_378, %parallel_loop3A_379] : memref<5x128x64xf32, #tpu.memory_space<vmem>> -> memref<1x128x64xf32, #tpu.memory_space<vmem>>
        %parallel_loop3A_381 = tpu.memref_squeeze %parallel_loop3A_380 : memref<1x128x64xf32, #tpu.memory_space<vmem>> -> memref<128x64xf32, #tpu.memory_space<vmem>>
        %parallel_loop3A_382 = arith.index_cast %parallel_loop3A_371 : i32 to index
        %parallel_loop3A_383 = arith.constant 0 : index
        %parallel_loop3A_384 = tpu.vector_load %parallel_loop3A_381[%parallel_loop3A_382, %parallel_loop3A_383] {strides = array<i32>} : memref<128x64xf32, #tpu.memory_space<vmem>>, vector<1x16xf32>,
        %parallel_loop3A_385 = vector.shape_cast %parallel_loop3A_384 : vector<1x16xf32> to vector<16xf32>
        %parallel_loop3A_386 = vector.shape_cast %parallel_loop3A_376 : vector<16xf32> to vector<1x16xf32>
        tpu.vector_store %parallel_loop3A_381[%parallel_loop3A_382, %parallel_loop3A_383], %parallel_loop3A_386 {add = true, strides = array<i32>} : memref<128x64xf32, #tpu.memory_space<vmem>>, vector<1x16xf32>,
        %parallel_loop3A_387 = arith.addi %rem3A_126, %parallel_loop3A_371 : i32
        %parallel_loop3A_388 = arith.index_cast %parallel_loop3A_387 : i32 to index
        %parallel_loop3A_389 = arith.constant 16 : index
        %parallel_loop3A_390 = tpu.vector_load %arg7[%parallel_loop3A_388, %parallel_loop3A_389] {strides = array<i32>} : memref<400x64xf32, #tpu.memory_space<vmem>>, vector<1x16xf32>,
        %parallel_loop3A_391 = vector.shape_cast %parallel_loop3A_390 : vector<1x16xf32> to vector<16xf32>
        %parallel_loop3A_392 = arith.constant 0 : i32
        %parallel_loop3A_393 = arith.constant 0 : i32
        %parallel_loop3A_394 = arith.constant 0 : i32
        %parallel_loop3A_395 = tpu.memref_slice %arg8[%parallel_loop3A_392, %parallel_loop3A_393, %parallel_loop3A_394] : memref<5x128x64xf32, #tpu.memory_space<vmem>> -> memref<1x128x64xf32, #tpu.memory_space<vmem>>
        %parallel_loop3A_396 = tpu.memref_squeeze %parallel_loop3A_395 : memref<1x128x64xf32, #tpu.memory_space<vmem>> -> memref<128x64xf32, #tpu.memory_space<vmem>>
        %parallel_loop3A_397 = arith.index_cast %parallel_loop3A_371 : i32 to index
        %parallel_loop3A_398 = arith.constant 16 : index
        %parallel_loop3A_399 = tpu.vector_load %parallel_loop3A_396[%parallel_loop3A_397, %parallel_loop3A_398] {strides = array<i32>} : memref<128x64xf32, #tpu.memory_space<vmem>>, vector<1x16xf32>,
        %parallel_loop3A_400 = vector.shape_cast %parallel_loop3A_399 : vector<1x16xf32> to vector<16xf32>
        %parallel_loop3A_401 = vector.shape_cast %parallel_loop3A_391 : vector<16xf32> to vector<1x16xf32>
        tpu.vector_store %parallel_loop3A_396[%parallel_loop3A_397, %parallel_loop3A_398], %parallel_loop3A_401 {add = true, strides = array<i32>} : memref<128x64xf32, #tpu.memory_space<vmem>>, vector<1x16xf32>,
        %parallel_loop3A_402 = arith.addi %rem3A_126, %parallel_loop3A_371 : i32
        %parallel_loop3A_403 = arith.index_cast %parallel_loop3A_402 : i32 to index
        %parallel_loop3A_404 = arith.constant 32 : index
        %parallel_loop3A_405 = tpu.vector_load %arg7[%parallel_loop3A_403, %parallel_loop3A_404] {strides = array<i32>} : memref<400x64xf32, #tpu.memory_space<vmem>>, vector<1x16xf32>,
        %parallel_loop3A_406 = vector.shape_cast %parallel_loop3A_405 : vector<1x16xf32> to vector<16xf32>
        %parallel_loop3A_407 = arith.constant 0 : i32
        %parallel_loop3A_408 = arith.constant 0 : i32
        %parallel_loop3A_409 = arith.constant 0 : i32
        %parallel_loop3A_410 = tpu.memref_slice %arg8[%parallel_loop3A_407, %parallel_loop3A_408, %parallel_loop3A_409] : memref<5x128x64xf32, #tpu.memory_space<vmem>> -> memref<1x128x64xf32, #tpu.memory_space<vmem>>
        %parallel_loop3A_411 = tpu.memref_squeeze %parallel_loop3A_410 : memref<1x128x64xf32, #tpu.memory_space<vmem>> -> memref<128x64xf32, #tpu.memory_space<vmem>>
        %parallel_loop3A_412 = arith.index_cast %parallel_loop3A_371 : i32 to index
        %parallel_loop3A_413 = arith.constant 32 : index
        %parallel_loop3A_414 = tpu.vector_load %parallel_loop3A_411[%parallel_loop3A_412, %parallel_loop3A_413] {strides = array<i32>} : memref<128x64xf32, #tpu.memory_space<vmem>>, vector<1x16xf32>,
        %parallel_loop3A_415 = vector.shape_cast %parallel_loop3A_414 : vector<1x16xf32> to vector<16xf32>
        %parallel_loop3A_416 = vector.shape_cast %parallel_loop3A_406 : vector<16xf32> to vector<1x16xf32>
        tpu.vector_store %parallel_loop3A_411[%parallel_loop3A_412, %parallel_loop3A_413], %parallel_loop3A_416 {add = true, strides = array<i32>} : memref<128x64xf32, #tpu.memory_space<vmem>>, vector<1x16xf32>,
        %parallel_loop3A_417 = arith.addi %rem3A_126, %parallel_loop3A_371 : i32
        %parallel_loop3A_418 = arith.index_cast %parallel_loop3A_417 : i32 to index
        %parallel_loop3A_419 = arith.constant 48 : index
        %parallel_loop3A_420 = tpu.vector_load %arg7[%parallel_loop3A_418, %parallel_loop3A_419] {strides = array<i32>} : memref<400x64xf32, #tpu.memory_space<vmem>>, vector<1x16xf32>,
        %parallel_loop3A_421 = vector.shape_cast %parallel_loop3A_420 : vector<1x16xf32> to vector<16xf32>
        %parallel_loop3A_422 = arith.constant 0 : i32
        %parallel_loop3A_423 = arith.constant 0 : i32
        %parallel_loop3A_424 = arith.constant 0 : i32
        %parallel_loop3A_425 = tpu.memref_slice %arg8[%parallel_loop3A_422, %parallel_loop3A_423, %parallel_loop3A_424] : memref<5x128x64xf32, #tpu.memory_space<vmem>> -> memref<1x128x64xf32, #tpu.memory_space<vmem>>
        %parallel_loop3A_426 = tpu.memref_squeeze %parallel_loop3A_425 : memref<1x128x64xf32, #tpu.memory_space<vmem>> -> memref<128x64xf32, #tpu.memory_space<vmem>>
        %parallel_loop3A_427 = arith.index_cast %parallel_loop3A_371 : i32 to index
        %parallel_loop3A_428 = arith.constant 48 : index
        %parallel_loop3A_429 = tpu.vector_load %parallel_loop3A_426[%parallel_loop3A_427, %parallel_loop3A_428] {strides = array<i32>} : memref<128x64xf32, #tpu.memory_space<vmem>>, vector<1x16xf32>,
        %parallel_loop3A_430 = vector.shape_cast %parallel_loop3A_429 : vector<1x16xf32> to vector<16xf32>
        %parallel_loop3A_431 = vector.shape_cast %parallel_loop3A_421 : vector<16xf32> to vector<1x16xf32>
        tpu.vector_store %parallel_loop3A_426[%parallel_loop3A_427, %parallel_loop3A_428], %parallel_loop3A_431 {add = true, strides = array<i32>} : memref<128x64xf32, #tpu.memory_space<vmem>>, vector<1x16xf32>,
      } {sc.loop_unroll_factor = 8 : i64, sc.parallel_access}
      %mul3A_129 = arith.constant 128 : i32
      %mul3A_130 = arith.muli %add3A_111, %mul3A_129 : i32
      %add3A_131 = arith.addi %mul3A_2, %mul3A_130 : i32
      %dma_start3A_132 = arith.constant 0 : i32
      %dma_start3A_133 = arith.constant 0 : i32
      %dma_start3A_134 = arith.constant 0 : i32
      %dma_start3A_135 = tpu.memref_slice %arg8[%dma_start3A_132, %dma_start3A_133, %dma_start3A_134] : memref<5x128x64xf32, #tpu.memory_space<vmem>> -> memref<1x128x64xf32, #tpu.memory_space<vmem>>
      %dma_start3A_136 = tpu.memref_squeeze %dma_start3A_135 : memref<1x128x64xf32, #tpu.memory_space<vmem>> -> memref<128x64xf32, #tpu.memory_space<vmem>>
      %dma_start3A_137 = arith.constant 0 : i32
      %dma_start3A_138 = tpu.memref_slice %arg5[%add3A_131, %dma_start3A_137] : memref<204800x64xf32, #tpu.memory_space<hbm>> -> memref<128x64xf32, #tpu.memory_space<hbm>>
      %dma_start3A_139 = arith.constant 0 : i32
      %dma_start3A_140 = tpu.memref_slice %arg5[%add3A_131, %dma_start3A_139] : memref<204800x64xf32, #tpu.memory_space<hbm>> -> memref<128x64xf32, #tpu.memory_space<hbm>>
      %dma_start3A_141 = arith.constant 0 : i32
      %dma_start3A_142 = arith.constant 0 : i32
      %dma_start3A_143 = tpu.memref_slice %arg8[%dma_start3A_132, %dma_start3A_141, %dma_start3A_142] : memref<5x128x64xf32, #tpu.memory_space<vmem>> -> memref<1x128x64xf32, #tpu.memory_space<vmem>>
      %dma_start3A_144 = tpu.memref_squeeze %dma_start3A_143 : memref<1x128x64xf32, #tpu.memory_space<vmem>> -> memref<128x64xf32, #tpu.memory_space<vmem>>
      tpu.enqueue_dma source(%dma_start3A_144 : memref<128x64xf32, #tpu.memory_space<vmem>>) target(%dma_start3A_140 : memref<128x64xf32, #tpu.memory_space<hbm>>) target_semaphore(%arg14 : memref<!tpu.dma_semaphore, #tpu.memory_space<semaphore_mem>>)
      %add3A_145 = arith.constant 3 : i32
      %add3A_146 = arith.addi %add3A_111, %add3A_145 : i32
      %ge3A = arith.constant 2 : i32
      %ge3A_147 = arith.cmpi sge, %add3A_111, %ge3A : i32
      %lt3A = arith.constant 47 : i32
      %lt3A_148 = arith.cmpi slt, %add3A_111, %lt3A : i32
      %and3A = arith.andi %ge3A_147, %lt3A_148 : i1
      %convert_element_type3A = arith.extui %and3A : i1 to i32
      %cond3A = arith.constant 0 : i32
      %cond3A_149 = arith.cmpi ne, %convert_element_type3A, %cond3A : i32
      scf.if %cond3A_149 {
        %dma_wait3A_371 = arith.constant 3 : i32
        %dma_wait3A_372 = arith.constant 0 : i32
        %dma_wait3A_373 = arith.constant 0 : i32
        %dma_wait3A_374 = tpu.memref_slice %arg8[%dma_wait3A_371, %dma_wait3A_372, %dma_wait3A_373] : memref<5x128x64xf32, #tpu.memory_space<vmem>> -> memref<1x128x64xf32, #tpu.memory_space<vmem>>
        %dma_wait3A_375 = tpu.memref_squeeze %dma_wait3A_374 : memref<1x128x64xf32, #tpu.memory_space<vmem>> -> memref<128x64xf32, #tpu.memory_space<vmem>>
        %dma_wait3A_376 = arith.constant 0 : i32
        %dma_wait3A_377 = tpu.memref_slice %arg5[%mul3A_2, %dma_wait3A_376] : memref<204800x64xf32, #tpu.memory_space<hbm>> -> memref<128x64xf32, #tpu.memory_space<hbm>>
        %dma_wait3A_378 = arith.constant 0 : i32
        %dma_wait3A_379 = tpu.memref_slice %arg5[%mul3A_2, %dma_wait3A_378] : memref<204800x64xf32, #tpu.memory_space<hbm>> -> memref<128x64xf32, #tpu.memory_space<hbm>>
        %dma_wait3A_380 = arith.constant 0 : i32
        %dma_wait3A_381 = arith.constant 0 : i32
        %dma_wait3A_382 = tpu.memref_slice %arg8[%dma_wait3A_371, %dma_wait3A_380, %dma_wait3A_381] : memref<5x128x64xf32, #tpu.memory_space<vmem>> -> memref<1x128x64xf32, #tpu.memory_space<vmem>>
        %dma_wait3A_383 = tpu.memref_squeeze %dma_wait3A_382 : memref<1x128x64xf32, #tpu.memory_space<vmem>> -> memref<128x64xf32, #tpu.memory_space<vmem>>
        tpu.wait_dma2 semaphore(%arg17 : memref<!tpu.dma_semaphore, #tpu.memory_space<semaphore_mem>>) src(%dma_wait3A_383 : memref<128x64xf32, #tpu.memory_space<vmem>>) dst(%dma_wait3A_379 : memref<128x64xf32, #tpu.memory_space<hbm>>)
      } else {
      }
      %lt3A_150 = arith.constant 47 : i32
      %lt3A_151 = arith.cmpi slt, %add3A_111, %lt3A_150 : i32
      %convert_element_type3A_152 = arith.extui %lt3A_151 : i1 to i32
      %cond3A_153 = arith.constant 0 : i32
      %cond3A_154 = arith.cmpi ne, %convert_element_type3A_152, %cond3A_153 : i32
      scf.if %cond3A_154 {
        %dma_start3A_371 = arith.constant 3 : i32
        %dma_start3A_372 = arith.constant 0 : i32
        %dma_start3A_373 = arith.constant 0 : i32
        %dma_start3A_374 = tpu.memref_slice %arg8[%dma_start3A_371, %dma_start3A_372, %dma_start3A_373] : memref<5x128x64xf32, #tpu.memory_space<vmem>> -> memref<1x128x64xf32, #tpu.memory_space<vmem>>
        %dma_start3A_375 = tpu.memref_squeeze %dma_start3A_374 : memref<1x128x64xf32, #tpu.memory_space<vmem>> -> memref<128x64xf32, #tpu.memory_space<vmem>>
        %dma_start3A_376 = arith.constant 0 : i32
        %dma_start3A_377 = tpu.memref_slice %arg6[%add3A_146, %dma_start3A_376] : memref<50x128xi32, #tpu.memory_space<vmem>> -> memref<1x128xi32, #tpu.memory_space<vmem>>
        %dma_start3A_378 = tpu.memref_squeeze %dma_start3A_377 : memref<1x128xi32, #tpu.memory_space<vmem>> -> memref<128xi32, #tpu.memory_space<vmem>>
        %dma_start3A_379 = arith.constant 0 : i32
        %dma_start3A_380 = arith.constant 0 : i32
        %dma_start3A_381 = tpu.memref_slice %arg3[%dma_start3A_379, %dma_start3A_380] : memref<1000000x64xf32, #tpu.memory_space<hbm>> -> memref<1000000x64xf32, #tpu.memory_space<hbm>>
        tpu.enqueue_indirect_dma source(%dma_start3A_381 : memref<1000000x64xf32, #tpu.memory_space<hbm>>) target(%dma_start3A_375 : memref<128x64xf32, #tpu.memory_space<vmem>>) offsets(%dma_start3A_378 : memref<128xi32, #tpu.memory_space<vmem>>) semaphore(%arg12 : memref<!tpu.dma_semaphore, #tpu.memory_space<semaphore_mem>>)
      } else {
      }
      %mul3A_155 = arith.constant 5 : i32
      %mul3A_156 = arith.muli %scan3A_107, %mul3A_155 : i32
      %add3A_157 = arith.constant 1 : i32
      %add3A_158 = arith.addi %mul3A_156, %add3A_157 : i32
      %dma_wait3A_159 = arith.constant 0 : i32
      %dma_wait3A_160 = arith.constant 1 : i32
      %dma_wait3A_161 = arith.constant 0 : i32
      %dma_wait3A_162 = arith.constant 0 : i32
      %dma_wait3A_163 = tpu.memref_slice %arg8[%dma_wait3A_160, %dma_wait3A_161, %dma_wait3A_162] : memref<5x128x64xf32, #tpu.memory_space<vmem>> -> memref<1x128x64xf32, #tpu.memory_space<vmem>>
      %dma_wait3A_164 = tpu.memref_squeeze %dma_wait3A_163 : memref<1x128x64xf32, #tpu.memory_space<vmem>> -> memref<128x64xf32, #tpu.memory_space<vmem>>
      %dma_wait3A_165 = arith.constant 0 : i32
      %dma_wait3A_166 = tpu.memref_slice %arg6[%dma_wait3A_159, %dma_wait3A_165] : memref<50x128xi32, #tpu.memory_space<vmem>> -> memref<1x128xi32, #tpu.memory_space<vmem>>
      %dma_wait3A_167 = tpu.memref_squeeze %dma_wait3A_166 : memref<1x128xi32, #tpu.memory_space<vmem>> -> memref<128xi32, #tpu.memory_space<vmem>>
      %dma_wait3A_168 = arith.constant 0 : i32
      %dma_wait3A_169 = arith.constant 0 : i32
      %dma_wait3A_170 = tpu.memref_slice %arg3[%dma_wait3A_168, %dma_wait3A_169] : memref<1000000x64xf32, #tpu.memory_space<hbm>> -> memref<1000000x64xf32, #tpu.memory_space<hbm>>
      tpu.wait_indirect_dma semaphore(%arg10 : memref<!tpu.dma_semaphore, #tpu.memory_space<semaphore_mem>>) src(%dma_wait3A_170 : memref<1000000x64xf32, #tpu.memory_space<hbm>>) dst(%dma_wait3A_164 : memref<128x64xf32, #tpu.memory_space<vmem>>)
      %mul3A_171 = arith.constant 128 : i32
      %mul3A_172 = arith.muli %add3A_158, %mul3A_171 : i32
      %rem3A_173 = arith.constant 200 : i32
      %rem3A_174 = arith.remsi %mul3A_172, %rem3A_173 : i32
      %parallel_loop3A_175 = arith.constant 0 : i32
      %parallel_loop3A_176 = arith.constant 128 : i32
      %parallel_loop3A_177 = arith.constant 1 : i32
      scf.for %parallel_loop3A_371 = %parallel_loop3A_175 to %parallel_loop3A_176 step %parallel_loop3A_177  : i32 {
        %parallel_loop3A_372 = arith.addi %rem3A_174, %parallel_loop3A_371 : i32
        %parallel_loop3A_373 = arith.index_cast %parallel_loop3A_372 : i32 to index
        %parallel_loop3A_374 = arith.constant 0 : index
        %parallel_loop3A_375 = tpu.vector_load %arg7[%parallel_loop3A_373, %parallel_loop3A_374] {strides = array<i32>} : memref<400x64xf32, #tpu.memory_space<vmem>>, vector<1x16xf32>,
        %parallel_loop3A_376 = vector.shape_cast %parallel_loop3A_375 : vector<1x16xf32> to vector<16xf32>
        %parallel_loop3A_377 = arith.constant 1 : i32
        %parallel_loop3A_378 = arith.constant 0 : i32
        %parallel_loop3A_379 = arith.constant 0 : i32
        %parallel_loop3A_380 = tpu.memref_slice %arg8[%parallel_loop3A_377, %parallel_loop3A_378, %parallel_loop3A_379] : memref<5x128x64xf32, #tpu.memory_space<vmem>> -> memref<1x128x64xf32, #tpu.memory_space<vmem>>
        %parallel_loop3A_381 = tpu.memref_squeeze %parallel_loop3A_380 : memref<1x128x64xf32, #tpu.memory_space<vmem>> -> memref<128x64xf32, #tpu.memory_space<vmem>>
        %parallel_loop3A_382 = arith.index_cast %parallel_loop3A_371 : i32 to index
        %parallel_loop3A_383 = arith.constant 0 : index
        %parallel_loop3A_384 = tpu.vector_load %parallel_loop3A_381[%parallel_loop3A_382, %parallel_loop3A_383] {strides = array<i32>} : memref<128x64xf32, #tpu.memory_space<vmem>>, vector<1x16xf32>,
        %parallel_loop3A_385 = vector.shape_cast %parallel_loop3A_384 : vector<1x16xf32> to vector<16xf32>
        %parallel_loop3A_386 = vector.shape_cast %parallel_loop3A_376 : vector<16xf32> to vector<1x16xf32>
        tpu.vector_store %parallel_loop3A_381[%parallel_loop3A_382, %parallel_loop3A_383], %parallel_loop3A_386 {add = true, strides = array<i32>} : memref<128x64xf32, #tpu.memory_space<vmem>>, vector<1x16xf32>,
        %parallel_loop3A_387 = arith.addi %rem3A_174, %parallel_loop3A_371 : i32
        %parallel_loop3A_388 = arith.index_cast %parallel_loop3A_387 : i32 to index
        %parallel_loop3A_389 = arith.constant 16 : index
        %parallel_loop3A_390 = tpu.vector_load %arg7[%parallel_loop3A_388, %parallel_loop3A_389] {strides = array<i32>} : memref<400x64xf32, #tpu.memory_space<vmem>>, vector<1x16xf32>,
        %parallel_loop3A_391 = vector.shape_cast %parallel_loop3A_390 : vector<1x16xf32> to vector<16xf32>
        %parallel_loop3A_392 = arith.constant 1 : i32
        %parallel_loop3A_393 = arith.constant 0 : i32
        %parallel_loop3A_394 = arith.constant 0 : i32
        %parallel_loop3A_395 = tpu.memref_slice %arg8[%parallel_loop3A_392, %parallel_loop3A_393, %parallel_loop3A_394] : memref<5x128x64xf32, #tpu.memory_space<vmem>> -> memref<1x128x64xf32, #tpu.memory_space<vmem>>
        %parallel_loop3A_396 = tpu.memref_squeeze %parallel_loop3A_395 : memref<1x128x64xf32, #tpu.memory_space<vmem>> -> memref<128x64xf32, #tpu.memory_space<vmem>>
        %parallel_loop3A_397 = arith.index_cast %parallel_loop3A_371 : i32 to index
        %parallel_loop3A_398 = arith.constant 16 : index
        %parallel_loop3A_399 = tpu.vector_load %parallel_loop3A_396[%parallel_loop3A_397, %parallel_loop3A_398] {strides = array<i32>} : memref<128x64xf32, #tpu.memory_space<vmem>>, vector<1x16xf32>,
        %parallel_loop3A_400 = vector.shape_cast %parallel_loop3A_399 : vector<1x16xf32> to vector<16xf32>
        %parallel_loop3A_401 = vector.shape_cast %parallel_loop3A_391 : vector<16xf32> to vector<1x16xf32>
        tpu.vector_store %parallel_loop3A_396[%parallel_loop3A_397, %parallel_loop3A_398], %parallel_loop3A_401 {add = true, strides = array<i32>} : memref<128x64xf32, #tpu.memory_space<vmem>>, vector<1x16xf32>,
        %parallel_loop3A_402 = arith.addi %rem3A_174, %parallel_loop3A_371 : i32
        %parallel_loop3A_403 = arith.index_cast %parallel_loop3A_402 : i32 to index
        %parallel_loop3A_404 = arith.constant 32 : index
        %parallel_loop3A_405 = tpu.vector_load %arg7[%parallel_loop3A_403, %parallel_loop3A_404] {strides = array<i32>} : memref<400x64xf32, #tpu.memory_space<vmem>>, vector<1x16xf32>,
        %parallel_loop3A_406 = vector.shape_cast %parallel_loop3A_405 : vector<1x16xf32> to vector<16xf32>
        %parallel_loop3A_407 = arith.constant 1 : i32
        %parallel_loop3A_408 = arith.constant 0 : i32
        %parallel_loop3A_409 = arith.constant 0 : i32
        %parallel_loop3A_410 = tpu.memref_slice %arg8[%parallel_loop3A_407, %parallel_loop3A_408, %parallel_loop3A_409] : memref<5x128x64xf32, #tpu.memory_space<vmem>> -> memref<1x128x64xf32, #tpu.memory_space<vmem>>
        %parallel_loop3A_411 = tpu.memref_squeeze %parallel_loop3A_410 : memref<1x128x64xf32, #tpu.memory_space<vmem>> -> memref<128x64xf32, #tpu.memory_space<vmem>>
        %parallel_loop3A_412 = arith.index_cast %parallel_loop3A_371 : i32 to index
        %parallel_loop3A_413 = arith.constant 32 : index
        %parallel_loop3A_414 = tpu.vector_load %parallel_loop3A_411[%parallel_loop3A_412, %parallel_loop3A_413] {strides = array<i32>} : memref<128x64xf32, #tpu.memory_space<vmem>>, vector<1x16xf32>,
        %parallel_loop3A_415 = vector.shape_cast %parallel_loop3A_414 : vector<1x16xf32> to vector<16xf32>
        %parallel_loop3A_416 = vector.shape_cast %parallel_loop3A_406 : vector<16xf32> to vector<1x16xf32>
        tpu.vector_store %parallel_loop3A_411[%parallel_loop3A_412, %parallel_loop3A_413], %parallel_loop3A_416 {add = true, strides = array<i32>} : memref<128x64xf32, #tpu.memory_space<vmem>>, vector<1x16xf32>,
        %parallel_loop3A_417 = arith.addi %rem3A_174, %parallel_loop3A_371 : i32
        %parallel_loop3A_418 = arith.index_cast %parallel_loop3A_417 : i32 to index
        %parallel_loop3A_419 = arith.constant 48 : index
        %parallel_loop3A_420 = tpu.vector_load %arg7[%parallel_loop3A_418, %parallel_loop3A_419] {strides = array<i32>} : memref<400x64xf32, #tpu.memory_space<vmem>>, vector<1x16xf32>,
        %parallel_loop3A_421 = vector.shape_cast %parallel_loop3A_420 : vector<1x16xf32> to vector<16xf32>
        %parallel_loop3A_422 = arith.constant 1 : i32
        %parallel_loop3A_423 = arith.constant 0 : i32
        %parallel_loop3A_424 = arith.constant 0 : i32
        %parallel_loop3A_425 = tpu.memref_slice %arg8[%parallel_loop3A_422, %parallel_loop3A_423, %parallel_loop3A_424] : memref<5x128x64xf32, #tpu.memory_space<vmem>> -> memref<1x128x64xf32, #tpu.memory_space<vmem>>
        %parallel_loop3A_426 = tpu.memref_squeeze %parallel_loop3A_425 : memref<1x128x64xf32, #tpu.memory_space<vmem>> -> memref<128x64xf32, #tpu.memory_space<vmem>>
        %parallel_loop3A_427 = arith.index_cast %parallel_loop3A_371 : i32 to index
        %parallel_loop3A_428 = arith.constant 48 : index
        %parallel_loop3A_429 = tpu.vector_load %parallel_loop3A_426[%parallel_loop3A_427, %parallel_loop3A_428] {strides = array<i32>} : memref<128x64xf32, #tpu.memory_space<vmem>>, vector<1x16xf32>,
        %parallel_loop3A_430 = vector.shape_cast %parallel_loop3A_429 : vector<1x16xf32> to vector<16xf32>
        %parallel_loop3A_431 = vector.shape_cast %parallel_loop3A_421 : vector<16xf32> to vector<1x16xf32>
        tpu.vector_store %parallel_loop3A_426[%parallel_loop3A_427, %parallel_loop3A_428], %parallel_loop3A_431 {add = true, strides = array<i32>} : memref<128x64xf32, #tpu.memory_space<vmem>>, vector<1x16xf32>,
      } {sc.loop_unroll_factor = 8 : i64, sc.parallel_access}
      %mul3A_178 = arith.constant 128 : i32
      %mul3A_179 = arith.muli %add3A_158, %mul3A_178 : i32
      %add3A_180 = arith.addi %mul3A_2, %mul3A_179 : i32
      %dma_start3A_181 = arith.constant 1 : i32
      %dma_start3A_182 = arith.constant 0 : i32
      %dma_start3A_183 = arith.constant 0 : i32
      %dma_start3A_184 = tpu.memref_slice %arg8[%dma_start3A_181, %dma_start3A_182, %dma_start3A_183] : memref<5x128x64xf32, #tpu.memory_space<vmem>> -> memref<1x128x64xf32, #tpu.memory_space<vmem>>
      %dma_start3A_185 = tpu.memref_squeeze %dma_start3A_184 : memref<1x128x64xf32, #tpu.memory_space<vmem>> -> memref<128x64xf32, #tpu.memory_space<vmem>>
      %dma_start3A_186 = arith.constant 0 : i32
      %dma_start3A_187 = tpu.memref_slice %arg5[%add3A_180, %dma_start3A_186] : memref<204800x64xf32, #tpu.memory_space<hbm>> -> memref<128x64xf32, #tpu.memory_space<hbm>>
      %dma_start3A_188 = arith.constant 0 : i32
      %dma_start3A_189 = tpu.memref_slice %arg5[%add3A_180, %dma_start3A_188] : memref<204800x64xf32, #tpu.memory_space<hbm>> -> memref<128x64xf32, #tpu.memory_space<hbm>>
      %dma_start3A_190 = arith.constant 0 : i32
      %dma_start3A_191 = arith.constant 0 : i32
      %dma_start3A_192 = tpu.memref_slice %arg8[%dma_start3A_181, %dma_start3A_190, %dma_start3A_191] : memref<5x128x64xf32, #tpu.memory_space<vmem>> -> memref<1x128x64xf32, #tpu.memory_space<vmem>>
      %dma_start3A_193 = tpu.memref_squeeze %dma_start3A_192 : memref<1x128x64xf32, #tpu.memory_space<vmem>> -> memref<128x64xf32, #tpu.memory_space<vmem>>
      tpu.enqueue_dma source(%dma_start3A_193 : memref<128x64xf32, #tpu.memory_space<vmem>>) target(%dma_start3A_189 : memref<128x64xf32, #tpu.memory_space<hbm>>) target_semaphore(%arg15 : memref<!tpu.dma_semaphore, #tpu.memory_space<semaphore_mem>>)
      %add3A_194 = arith.constant 3 : i32
      %add3A_195 = arith.addi %add3A_158, %add3A_194 : i32
      %ge3A_196 = arith.constant 2 : i32
      %ge3A_197 = arith.cmpi sge, %add3A_158, %ge3A_196 : i32
      %lt3A_198 = arith.constant 47 : i32
      %lt3A_199 = arith.cmpi slt, %add3A_158, %lt3A_198 : i32
      %and3A_200 = arith.andi %ge3A_197, %lt3A_199 : i1
      %convert_element_type3A_201 = arith.extui %and3A_200 : i1 to i32
      %cond3A_202 = arith.constant 0 : i32
      %cond3A_203 = arith.cmpi ne, %convert_element_type3A_201, %cond3A_202 : i32
      scf.if %cond3A_203 {
        %dma_wait3A_371 = arith.constant 4 : i32
        %dma_wait3A_372 = arith.constant 0 : i32
        %dma_wait3A_373 = arith.constant 0 : i32
        %dma_wait3A_374 = tpu.memref_slice %arg8[%dma_wait3A_371, %dma_wait3A_372, %dma_wait3A_373] : memref<5x128x64xf32, #tpu.memory_space<vmem>> -> memref<1x128x64xf32, #tpu.memory_space<vmem>>
        %dma_wait3A_375 = tpu.memref_squeeze %dma_wait3A_374 : memref<1x128x64xf32, #tpu.memory_space<vmem>> -> memref<128x64xf32, #tpu.memory_space<vmem>>
        %dma_wait3A_376 = arith.constant 0 : i32
        %dma_wait3A_377 = tpu.memref_slice %arg5[%mul3A_2, %dma_wait3A_376] : memref<204800x64xf32, #tpu.memory_space<hbm>> -> memref<128x64xf32, #tpu.memory_space<hbm>>
        %dma_wait3A_378 = arith.constant 0 : i32
        %dma_wait3A_379 = tpu.memref_slice %arg5[%mul3A_2, %dma_wait3A_378] : memref<204800x64xf32, #tpu.memory_space<hbm>> -> memref<128x64xf32, #tpu.memory_space<hbm>>
        %dma_wait3A_380 = arith.constant 0 : i32
        %dma_wait3A_381 = arith.constant 0 : i32
        %dma_wait3A_382 = tpu.memref_slice %arg8[%dma_wait3A_371, %dma_wait3A_380, %dma_wait3A_381] : memref<5x128x64xf32, #tpu.memory_space<vmem>> -> memref<1x128x64xf32, #tpu.memory_space<vmem>>
        %dma_wait3A_383 = tpu.memref_squeeze %dma_wait3A_382 : memref<1x128x64xf32, #tpu.memory_space<vmem>> -> memref<128x64xf32, #tpu.memory_space<vmem>>
        tpu.wait_dma2 semaphore(%arg18 : memref<!tpu.dma_semaphore, #tpu.memory_space<semaphore_mem>>) src(%dma_wait3A_383 : memref<128x64xf32, #tpu.memory_space<vmem>>) dst(%dma_wait3A_379 : memref<128x64xf32, #tpu.memory_space<hbm>>)
      } else {
      }
      %lt3A_204 = arith.constant 47 : i32
      %lt3A_205 = arith.cmpi slt, %add3A_158, %lt3A_204 : i32
      %convert_element_type3A_206 = arith.extui %lt3A_205 : i1 to i32
      %cond3A_207 = arith.constant 0 : i32
      %cond3A_208 = arith.cmpi ne, %convert_element_type3A_206, %cond3A_207 : i32
      scf.if %cond3A_208 {
        %dma_start3A_371 = arith.constant 4 : i32
        %dma_start3A_372 = arith.constant 0 : i32
        %dma_start3A_373 = arith.constant 0 : i32
        %dma_start3A_374 = tpu.memref_slice %arg8[%dma_start3A_371, %dma_start3A_372, %dma_start3A_373] : memref<5x128x64xf32, #tpu.memory_space<vmem>> -> memref<1x128x64xf32, #tpu.memory_space<vmem>>
        %dma_start3A_375 = tpu.memref_squeeze %dma_start3A_374 : memref<1x128x64xf32, #tpu.memory_space<vmem>> -> memref<128x64xf32, #tpu.memory_space<vmem>>
        %dma_start3A_376 = arith.constant 0 : i32
        %dma_start3A_377 = tpu.memref_slice %arg6[%add3A_195, %dma_start3A_376] : memref<50x128xi32, #tpu.memory_space<vmem>> -> memref<1x128xi32, #tpu.memory_space<vmem>>
        %dma_start3A_378 = tpu.memref_squeeze %dma_start3A_377 : memref<1x128xi32, #tpu.memory_space<vmem>> -> memref<128xi32, #tpu.memory_space<vmem>>
        %dma_start3A_379 = arith.constant 0 : i32
        %dma_start3A_380 = arith.constant 0 : i32
        %dma_start3A_381 = tpu.memref_slice %arg3[%dma_start3A_379, %dma_start3A_380] : memref<1000000x64xf32, #tpu.memory_space<hbm>> -> memref<1000000x64xf32, #tpu.memory_space<hbm>>
        tpu.enqueue_indirect_dma source(%dma_start3A_381 : memref<1000000x64xf32, #tpu.memory_space<hbm>>) target(%dma_start3A_375 : memref<128x64xf32, #tpu.memory_space<vmem>>) offsets(%dma_start3A_378 : memref<128xi32, #tpu.memory_space<vmem>>) semaphore(%arg13 : memref<!tpu.dma_semaphore, #tpu.memory_space<semaphore_mem>>)
      } else {
      }
      %mul3A_209 = arith.constant 5 : i32
      %mul3A_210 = arith.muli %scan3A_107, %mul3A_209 : i32
      %add3A_211 = arith.constant 2 : i32
      %add3A_212 = arith.addi %mul3A_210, %add3A_211 : i32
      %dma_wait3A_213 = arith.constant 0 : i32
      %dma_wait3A_214 = arith.constant 2 : i32
      %dma_wait3A_215 = arith.constant 0 : i32
      %dma_wait3A_216 = arith.constant 0 : i32
      %dma_wait3A_217 = tpu.memref_slice %arg8[%dma_wait3A_214, %dma_wait3A_215, %dma_wait3A_216] : memref<5x128x64xf32, #tpu.memory_space<vmem>> -> memref<1x128x64xf32, #tpu.memory_space<vmem>>
      %dma_wait3A_218 = tpu.memref_squeeze %dma_wait3A_217 : memref<1x128x64xf32, #tpu.memory_space<vmem>> -> memref<128x64xf32, #tpu.memory_space<vmem>>
      %dma_wait3A_219 = arith.constant 0 : i32
      %dma_wait3A_220 = tpu.memref_slice %arg6[%dma_wait3A_213, %dma_wait3A_219] : memref<50x128xi32, #tpu.memory_space<vmem>> -> memref<1x128xi32, #tpu.memory_space<vmem>>
      %dma_wait3A_221 = tpu.memref_squeeze %dma_wait3A_220 : memref<1x128xi32, #tpu.memory_space<vmem>> -> memref<128xi32, #tpu.memory_space<vmem>>
      %dma_wait3A_222 = arith.constant 0 : i32
      %dma_wait3A_223 = arith.constant 0 : i32
      %dma_wait3A_224 = tpu.memref_slice %arg3[%dma_wait3A_222, %dma_wait3A_223] : memref<1000000x64xf32, #tpu.memory_space<hbm>> -> memref<1000000x64xf32, #tpu.memory_space<hbm>>
      tpu.wait_indirect_dma semaphore(%arg11 : memref<!tpu.dma_semaphore, #tpu.memory_space<semaphore_mem>>) src(%dma_wait3A_224 : memref<1000000x64xf32, #tpu.memory_space<hbm>>) dst(%dma_wait3A_218 : memref<128x64xf32, #tpu.memory_space<vmem>>)
      %mul3A_225 = arith.constant 128 : i32
      %mul3A_226 = arith.muli %add3A_212, %mul3A_225 : i32
      %rem3A_227 = arith.constant 200 : i32
      %rem3A_228 = arith.remsi %mul3A_226, %rem3A_227 : i32
      %parallel_loop3A_229 = arith.constant 0 : i32
      %parallel_loop3A_230 = arith.constant 128 : i32
      %parallel_loop3A_231 = arith.constant 1 : i32
      scf.for %parallel_loop3A_371 = %parallel_loop3A_229 to %parallel_loop3A_230 step %parallel_loop3A_231  : i32 {
        %parallel_loop3A_372 = arith.addi %rem3A_228, %parallel_loop3A_371 : i32
        %parallel_loop3A_373 = arith.index_cast %parallel_loop3A_372 : i32 to index
        %parallel_loop3A_374 = arith.constant 0 : index
        %parallel_loop3A_375 = tpu.vector_load %arg7[%parallel_loop3A_373, %parallel_loop3A_374] {strides = array<i32>} : memref<400x64xf32, #tpu.memory_space<vmem>>, vector<1x16xf32>,
        %parallel_loop3A_376 = vector.shape_cast %parallel_loop3A_375 : vector<1x16xf32> to vector<16xf32>
        %parallel_loop3A_377 = arith.constant 2 : i32
        %parallel_loop3A_378 = arith.constant 0 : i32
        %parallel_loop3A_379 = arith.constant 0 : i32
        %parallel_loop3A_380 = tpu.memref_slice %arg8[%parallel_loop3A_377, %parallel_loop3A_378, %parallel_loop3A_379] : memref<5x128x64xf32, #tpu.memory_space<vmem>> -> memref<1x128x64xf32, #tpu.memory_space<vmem>>
        %parallel_loop3A_381 = tpu.memref_squeeze %parallel_loop3A_380 : memref<1x128x64xf32, #tpu.memory_space<vmem>> -> memref<128x64xf32, #tpu.memory_space<vmem>>
        %parallel_loop3A_382 = arith.index_cast %parallel_loop3A_371 : i32 to index
        %parallel_loop3A_383 = arith.constant 0 : index
        %parallel_loop3A_384 = tpu.vector_load %parallel_loop3A_381[%parallel_loop3A_382, %parallel_loop3A_383] {strides = array<i32>} : memref<128x64xf32, #tpu.memory_space<vmem>>, vector<1x16xf32>,
        %parallel_loop3A_385 = vector.shape_cast %parallel_loop3A_384 : vector<1x16xf32> to vector<16xf32>
        %parallel_loop3A_386 = vector.shape_cast %parallel_loop3A_376 : vector<16xf32> to vector<1x16xf32>
        tpu.vector_store %parallel_loop3A_381[%parallel_loop3A_382, %parallel_loop3A_383], %parallel_loop3A_386 {add = true, strides = array<i32>} : memref<128x64xf32, #tpu.memory_space<vmem>>, vector<1x16xf32>,
        %parallel_loop3A_387 = arith.addi %rem3A_228, %parallel_loop3A_371 : i32
        %parallel_loop3A_388 = arith.index_cast %parallel_loop3A_387 : i32 to index
        %parallel_loop3A_389 = arith.constant 16 : index
        %parallel_loop3A_390 = tpu.vector_load %arg7[%parallel_loop3A_388, %parallel_loop3A_389] {strides = array<i32>} : memref<400x64xf32, #tpu.memory_space<vmem>>, vector<1x16xf32>,
        %parallel_loop3A_391 = vector.shape_cast %parallel_loop3A_390 : vector<1x16xf32> to vector<16xf32>
        %parallel_loop3A_392 = arith.constant 2 : i32
        %parallel_loop3A_393 = arith.constant 0 : i32
        %parallel_loop3A_394 = arith.constant 0 : i32
        %parallel_loop3A_395 = tpu.memref_slice %arg8[%parallel_loop3A_392, %parallel_loop3A_393, %parallel_loop3A_394] : memref<5x128x64xf32, #tpu.memory_space<vmem>> -> memref<1x128x64xf32, #tpu.memory_space<vmem>>
        %parallel_loop3A_396 = tpu.memref_squeeze %parallel_loop3A_395 : memref<1x128x64xf32, #tpu.memory_space<vmem>> -> memref<128x64xf32, #tpu.memory_space<vmem>>
        %parallel_loop3A_397 = arith.index_cast %parallel_loop3A_371 : i32 to index
        %parallel_loop3A_398 = arith.constant 16 : index
        %parallel_loop3A_399 = tpu.vector_load %parallel_loop3A_396[%parallel_loop3A_397, %parallel_loop3A_398] {strides = array<i32>} : memref<128x64xf32, #tpu.memory_space<vmem>>, vector<1x16xf32>,
        %parallel_loop3A_400 = vector.shape_cast %parallel_loop3A_399 : vector<1x16xf32> to vector<16xf32>
        %parallel_loop3A_401 = vector.shape_cast %parallel_loop3A_391 : vector<16xf32> to vector<1x16xf32>
        tpu.vector_store %parallel_loop3A_396[%parallel_loop3A_397, %parallel_loop3A_398], %parallel_loop3A_401 {add = true, strides = array<i32>} : memref<128x64xf32, #tpu.memory_space<vmem>>, vector<1x16xf32>,
        %parallel_loop3A_402 = arith.addi %rem3A_228, %parallel_loop3A_371 : i32
        %parallel_loop3A_403 = arith.index_cast %parallel_loop3A_402 : i32 to index
        %parallel_loop3A_404 = arith.constant 32 : index
        %parallel_loop3A_405 = tpu.vector_load %arg7[%parallel_loop3A_403, %parallel_loop3A_404] {strides = array<i32>} : memref<400x64xf32, #tpu.memory_space<vmem>>, vector<1x16xf32>,
        %parallel_loop3A_406 = vector.shape_cast %parallel_loop3A_405 : vector<1x16xf32> to vector<16xf32>
        %parallel_loop3A_407 = arith.constant 2 : i32
        %parallel_loop3A_408 = arith.constant 0 : i32
        %parallel_loop3A_409 = arith.constant 0 : i32
        %parallel_loop3A_410 = tpu.memref_slice %arg8[%parallel_loop3A_407, %parallel_loop3A_408, %parallel_loop3A_409] : memref<5x128x64xf32, #tpu.memory_space<vmem>> -> memref<1x128x64xf32, #tpu.memory_space<vmem>>
        %parallel_loop3A_411 = tpu.memref_squeeze %parallel_loop3A_410 : memref<1x128x64xf32, #tpu.memory_space<vmem>> -> memref<128x64xf32, #tpu.memory_space<vmem>>
        %parallel_loop3A_412 = arith.index_cast %parallel_loop3A_371 : i32 to index
        %parallel_loop3A_413 = arith.constant 32 : index
        %parallel_loop3A_414 = tpu.vector_load %parallel_loop3A_411[%parallel_loop3A_412, %parallel_loop3A_413] {strides = array<i32>} : memref<128x64xf32, #tpu.memory_space<vmem>>, vector<1x16xf32>,
        %parallel_loop3A_415 = vector.shape_cast %parallel_loop3A_414 : vector<1x16xf32> to vector<16xf32>
        %parallel_loop3A_416 = vector.shape_cast %parallel_loop3A_406 : vector<16xf32> to vector<1x16xf32>
        tpu.vector_store %parallel_loop3A_411[%parallel_loop3A_412, %parallel_loop3A_413], %parallel_loop3A_416 {add = true, strides = array<i32>} : memref<128x64xf32, #tpu.memory_space<vmem>>, vector<1x16xf32>,
        %parallel_loop3A_417 = arith.addi %rem3A_228, %parallel_loop3A_371 : i32
        %parallel_loop3A_418 = arith.index_cast %parallel_loop3A_417 : i32 to index
        %parallel_loop3A_419 = arith.constant 48 : index
        %parallel_loop3A_420 = tpu.vector_load %arg7[%parallel_loop3A_418, %parallel_loop3A_419] {strides = array<i32>} : memref<400x64xf32, #tpu.memory_space<vmem>>, vector<1x16xf32>,
        %parallel_loop3A_421 = vector.shape_cast %parallel_loop3A_420 : vector<1x16xf32> to vector<16xf32>
        %parallel_loop3A_422 = arith.constant 2 : i32
        %parallel_loop3A_423 = arith.constant 0 : i32
        %parallel_loop3A_424 = arith.constant 0 : i32
        %parallel_loop3A_425 = tpu.memref_slice %arg8[%parallel_loop3A_422, %parallel_loop3A_423, %parallel_loop3A_424] : memref<5x128x64xf32, #tpu.memory_space<vmem>> -> memref<1x128x64xf32, #tpu.memory_space<vmem>>
        %parallel_loop3A_426 = tpu.memref_squeeze %parallel_loop3A_425 : memref<1x128x64xf32, #tpu.memory_space<vmem>> -> memref<128x64xf32, #tpu.memory_space<vmem>>
        %parallel_loop3A_427 = arith.index_cast %parallel_loop3A_371 : i32 to index
        %parallel_loop3A_428 = arith.constant 48 : index
        %parallel_loop3A_429 = tpu.vector_load %parallel_loop3A_426[%parallel_loop3A_427, %parallel_loop3A_428] {strides = array<i32>} : memref<128x64xf32, #tpu.memory_space<vmem>>, vector<1x16xf32>,
        %parallel_loop3A_430 = vector.shape_cast %parallel_loop3A_429 : vector<1x16xf32> to vector<16xf32>
        %parallel_loop3A_431 = vector.shape_cast %parallel_loop3A_421 : vector<16xf32> to vector<1x16xf32>
        tpu.vector_store %parallel_loop3A_426[%parallel_loop3A_427, %parallel_loop3A_428], %parallel_loop3A_431 {add = true, strides = array<i32>} : memref<128x64xf32, #tpu.memory_space<vmem>>, vector<1x16xf32>,
      } {sc.loop_unroll_factor = 8 : i64, sc.parallel_access}
      %mul3A_232 = arith.constant 128 : i32
      %mul3A_233 = arith.muli %add3A_212, %mul3A_232 : i32
      %add3A_234 = arith.addi %mul3A_2, %mul3A_233 : i32
      %dma_start3A_235 = arith.constant 2 : i32
      %dma_start3A_236 = arith.constant 0 : i32
      %dma_start3A_237 = arith.constant 0 : i32
      %dma_start3A_238 = tpu.memref_slice %arg8[%dma_start3A_235, %dma_start3A_236, %dma_start3A_237] : memref<5x128x64xf32, #tpu.memory_space<vmem>> -> memref<1x128x64xf32, #tpu.memory_space<vmem>>
      %dma_start3A_239 = tpu.memref_squeeze %dma_start3A_238 : memref<1x128x64xf32, #tpu.memory_space<vmem>> -> memref<128x64xf32, #tpu.memory_space<vmem>>
      %dma_start3A_240 = arith.constant 0 : i32
      %dma_start3A_241 = tpu.memref_slice %arg5[%add3A_234, %dma_start3A_240] : memref<204800x64xf32, #tpu.memory_space<hbm>> -> memref<128x64xf32, #tpu.memory_space<hbm>>
      %dma_start3A_242 = arith.constant 0 : i32
      %dma_start3A_243 = tpu.memref_slice %arg5[%add3A_234, %dma_start3A_242] : memref<204800x64xf32, #tpu.memory_space<hbm>> -> memref<128x64xf32, #tpu.memory_space<hbm>>
      %dma_start3A_244 = arith.constant 0 : i32
      %dma_start3A_245 = arith.constant 0 : i32
      %dma_start3A_246 = tpu.memref_slice %arg8[%dma_start3A_235, %dma_start3A_244, %dma_start3A_245] : memref<5x128x64xf32, #tpu.memory_space<vmem>> -> memref<1x128x64xf32, #tpu.memory_space<vmem>>
      %dma_start3A_247 = tpu.memref_squeeze %dma_start3A_246 : memref<1x128x64xf32, #tpu.memory_space<vmem>> -> memref<128x64xf32, #tpu.memory_space<vmem>>
      tpu.enqueue_dma source(%dma_start3A_247 : memref<128x64xf32, #tpu.memory_space<vmem>>) target(%dma_start3A_243 : memref<128x64xf32, #tpu.memory_space<hbm>>) target_semaphore(%arg16 : memref<!tpu.dma_semaphore, #tpu.memory_space<semaphore_mem>>)
      %add3A_248 = arith.constant 3 : i32
      %add3A_249 = arith.addi %add3A_212, %add3A_248 : i32
      %ge3A_250 = arith.constant 2 : i32
      %ge3A_251 = arith.cmpi sge, %add3A_212, %ge3A_250 : i32
      %lt3A_252 = arith.constant 47 : i32
      %lt3A_253 = arith.cmpi slt, %add3A_212, %lt3A_252 : i32
      %and3A_254 = arith.andi %ge3A_251, %lt3A_253 : i1
      %convert_element_type3A_255 = arith.extui %and3A_254 : i1 to i32
      %cond3A_256 = arith.constant 0 : i32
      %cond3A_257 = arith.cmpi ne, %convert_element_type3A_255, %cond3A_256 : i32
      scf.if %cond3A_257 {
        %dma_wait3A_371 = arith.constant 0 : i32
        %dma_wait3A_372 = arith.constant 0 : i32
        %dma_wait3A_373 = arith.constant 0 : i32
        %dma_wait3A_374 = tpu.memref_slice %arg8[%dma_wait3A_371, %dma_wait3A_372, %dma_wait3A_373] : memref<5x128x64xf32, #tpu.memory_space<vmem>> -> memref<1x128x64xf32, #tpu.memory_space<vmem>>
        %dma_wait3A_375 = tpu.memref_squeeze %dma_wait3A_374 : memref<1x128x64xf32, #tpu.memory_space<vmem>> -> memref<128x64xf32, #tpu.memory_space<vmem>>
        %dma_wait3A_376 = arith.constant 0 : i32
        %dma_wait3A_377 = tpu.memref_slice %arg5[%mul3A_2, %dma_wait3A_376] : memref<204800x64xf32, #tpu.memory_space<hbm>> -> memref<128x64xf32, #tpu.memory_space<hbm>>
        %dma_wait3A_378 = arith.constant 0 : i32
        %dma_wait3A_379 = tpu.memref_slice %arg5[%mul3A_2, %dma_wait3A_378] : memref<204800x64xf32, #tpu.memory_space<hbm>> -> memref<128x64xf32, #tpu.memory_space<hbm>>
        %dma_wait3A_380 = arith.constant 0 : i32
        %dma_wait3A_381 = arith.constant 0 : i32
        %dma_wait3A_382 = tpu.memref_slice %arg8[%dma_wait3A_371, %dma_wait3A_380, %dma_wait3A_381] : memref<5x128x64xf32, #tpu.memory_space<vmem>> -> memref<1x128x64xf32, #tpu.memory_space<vmem>>
        %dma_wait3A_383 = tpu.memref_squeeze %dma_wait3A_382 : memref<1x128x64xf32, #tpu.memory_space<vmem>> -> memref<128x64xf32, #tpu.memory_space<vmem>>
        tpu.wait_dma2 semaphore(%arg14 : memref<!tpu.dma_semaphore, #tpu.memory_space<semaphore_mem>>) src(%dma_wait3A_383 : memref<128x64xf32, #tpu.memory_space<vmem>>) dst(%dma_wait3A_379 : memref<128x64xf32, #tpu.memory_space<hbm>>)
      } else {
      }
      %lt3A_258 = arith.constant 47 : i32
      %lt3A_259 = arith.cmpi slt, %add3A_212, %lt3A_258 : i32
      %convert_element_type3A_260 = arith.extui %lt3A_259 : i1 to i32
      %cond3A_261 = arith.constant 0 : i32
      %cond3A_262 = arith.cmpi ne, %convert_element_type3A_260, %cond3A_261 : i32
      scf.if %cond3A_262 {
        %dma_start3A_371 = arith.constant 0 : i32
        %dma_start3A_372 = arith.constant 0 : i32
        %dma_start3A_373 = arith.constant 0 : i32
        %dma_start3A_374 = tpu.memref_slice %arg8[%dma_start3A_371, %dma_start3A_372, %dma_start3A_373] : memref<5x128x64xf32, #tpu.memory_space<vmem>> -> memref<1x128x64xf32, #tpu.memory_space<vmem>>
        %dma_start3A_375 = tpu.memref_squeeze %dma_start3A_374 : memref<1x128x64xf32, #tpu.memory_space<vmem>> -> memref<128x64xf32, #tpu.memory_space<vmem>>
        %dma_start3A_376 = arith.constant 0 : i32
        %dma_start3A_377 = tpu.memref_slice %arg6[%add3A_249, %dma_start3A_376] : memref<50x128xi32, #tpu.memory_space<vmem>> -> memref<1x128xi32, #tpu.memory_space<vmem>>
        %dma_start3A_378 = tpu.memref_squeeze %dma_start3A_377 : memref<1x128xi32, #tpu.memory_space<vmem>> -> memref<128xi32, #tpu.memory_space<vmem>>
        %dma_start3A_379 = arith.constant 0 : i32
        %dma_start3A_380 = arith.constant 0 : i32
        %dma_start3A_381 = tpu.memref_slice %arg3[%dma_start3A_379, %dma_start3A_380] : memref<1000000x64xf32, #tpu.memory_space<hbm>> -> memref<1000000x64xf32, #tpu.memory_space<hbm>>
        tpu.enqueue_indirect_dma source(%dma_start3A_381 : memref<1000000x64xf32, #tpu.memory_space<hbm>>) target(%dma_start3A_375 : memref<128x64xf32, #tpu.memory_space<vmem>>) offsets(%dma_start3A_378 : memref<128xi32, #tpu.memory_space<vmem>>) semaphore(%arg9 : memref<!tpu.dma_semaphore, #tpu.memory_space<semaphore_mem>>)
      } else {
      }
      %mul3A_263 = arith.constant 5 : i32
      %mul3A_264 = arith.muli %scan3A_107, %mul3A_263 : i32
      %add3A_265 = arith.constant 3 : i32
      %add3A_266 = arith.addi %mul3A_264, %add3A_265 : i32
      %dma_wait3A_267 = arith.constant 0 : i32
      %dma_wait3A_268 = arith.constant 3 : i32
      %dma_wait3A_269 = arith.constant 0 : i32
      %dma_wait3A_270 = arith.constant 0 : i32
      %dma_wait3A_271 = tpu.memref_slice %arg8[%dma_wait3A_268, %dma_wait3A_269, %dma_wait3A_270] : memref<5x128x64xf32, #tpu.memory_space<vmem>> -> memref<1x128x64xf32, #tpu.memory_space<vmem>>
      %dma_wait3A_272 = tpu.memref_squeeze %dma_wait3A_271 : memref<1x128x64xf32, #tpu.memory_space<vmem>> -> memref<128x64xf32, #tpu.memory_space<vmem>>
      %dma_wait3A_273 = arith.constant 0 : i32
      %dma_wait3A_274 = tpu.memref_slice %arg6[%dma_wait3A_267, %dma_wait3A_273] : memref<50x128xi32, #tpu.memory_space<vmem>> -> memref<1x128xi32, #tpu.memory_space<vmem>>
      %dma_wait3A_275 = tpu.memref_squeeze %dma_wait3A_274 : memref<1x128xi32, #tpu.memory_space<vmem>> -> memref<128xi32, #tpu.memory_space<vmem>>
      %dma_wait3A_276 = arith.constant 0 : i32
      %dma_wait3A_277 = arith.constant 0 : i32
      %dma_wait3A_278 = tpu.memref_slice %arg3[%dma_wait3A_276, %dma_wait3A_277] : memref<1000000x64xf32, #tpu.memory_space<hbm>> -> memref<1000000x64xf32, #tpu.memory_space<hbm>>
      tpu.wait_indirect_dma semaphore(%arg12 : memref<!tpu.dma_semaphore, #tpu.memory_space<semaphore_mem>>) src(%dma_wait3A_278 : memref<1000000x64xf32, #tpu.memory_space<hbm>>) dst(%dma_wait3A_272 : memref<128x64xf32, #tpu.memory_space<vmem>>)
      %mul3A_279 = arith.constant 128 : i32
      %mul3A_280 = arith.muli %add3A_266, %mul3A_279 : i32
      %rem3A_281 = arith.constant 200 : i32
      %rem3A_282 = arith.remsi %mul3A_280, %rem3A_281 : i32
      %parallel_loop3A_283 = arith.constant 0 : i32
      %parallel_loop3A_284 = arith.constant 128 : i32
      %parallel_loop3A_285 = arith.constant 1 : i32
      scf.for %parallel_loop3A_371 = %parallel_loop3A_283 to %parallel_loop3A_284 step %parallel_loop3A_285  : i32 {
        %parallel_loop3A_372 = arith.addi %rem3A_282, %parallel_loop3A_371 : i32
        %parallel_loop3A_373 = arith.index_cast %parallel_loop3A_372 : i32 to index
        %parallel_loop3A_374 = arith.constant 0 : index
        %parallel_loop3A_375 = tpu.vector_load %arg7[%parallel_loop3A_373, %parallel_loop3A_374] {strides = array<i32>} : memref<400x64xf32, #tpu.memory_space<vmem>>, vector<1x16xf32>,
        %parallel_loop3A_376 = vector.shape_cast %parallel_loop3A_375 : vector<1x16xf32> to vector<16xf32>
        %parallel_loop3A_377 = arith.constant 3 : i32
        %parallel_loop3A_378 = arith.constant 0 : i32
        %parallel_loop3A_379 = arith.constant 0 : i32
        %parallel_loop3A_380 = tpu.memref_slice %arg8[%parallel_loop3A_377, %parallel_loop3A_378, %parallel_loop3A_379] : memref<5x128x64xf32, #tpu.memory_space<vmem>> -> memref<1x128x64xf32, #tpu.memory_space<vmem>>
        %parallel_loop3A_381 = tpu.memref_squeeze %parallel_loop3A_380 : memref<1x128x64xf32, #tpu.memory_space<vmem>> -> memref<128x64xf32, #tpu.memory_space<vmem>>
        %parallel_loop3A_382 = arith.index_cast %parallel_loop3A_371 : i32 to index
        %parallel_loop3A_383 = arith.constant 0 : index
        %parallel_loop3A_384 = tpu.vector_load %parallel_loop3A_381[%parallel_loop3A_382, %parallel_loop3A_383] {strides = array<i32>} : memref<128x64xf32, #tpu.memory_space<vmem>>, vector<1x16xf32>,
        %parallel_loop3A_385 = vector.shape_cast %parallel_loop3A_384 : vector<1x16xf32> to vector<16xf32>
        %parallel_loop3A_386 = vector.shape_cast %parallel_loop3A_376 : vector<16xf32> to vector<1x16xf32>
        tpu.vector_store %parallel_loop3A_381[%parallel_loop3A_382, %parallel_loop3A_383], %parallel_loop3A_386 {add = true, strides = array<i32>} : memref<128x64xf32, #tpu.memory_space<vmem>>, vector<1x16xf32>,
        %parallel_loop3A_387 = arith.addi %rem3A_282, %parallel_loop3A_371 : i32
        %parallel_loop3A_388 = arith.index_cast %parallel_loop3A_387 : i32 to index
        %parallel_loop3A_389 = arith.constant 16 : index
        %parallel_loop3A_390 = tpu.vector_load %arg7[%parallel_loop3A_388, %parallel_loop3A_389] {strides = array<i32>} : memref<400x64xf32, #tpu.memory_space<vmem>>, vector<1x16xf32>,
        %parallel_loop3A_391 = vector.shape_cast %parallel_loop3A_390 : vector<1x16xf32> to vector<16xf32>
        %parallel_loop3A_392 = arith.constant 3 : i32
        %parallel_loop3A_393 = arith.constant 0 : i32
        %parallel_loop3A_394 = arith.constant 0 : i32
        %parallel_loop3A_395 = tpu.memref_slice %arg8[%parallel_loop3A_392, %parallel_loop3A_393, %parallel_loop3A_394] : memref<5x128x64xf32, #tpu.memory_space<vmem>> -> memref<1x128x64xf32, #tpu.memory_space<vmem>>
        %parallel_loop3A_396 = tpu.memref_squeeze %parallel_loop3A_395 : memref<1x128x64xf32, #tpu.memory_space<vmem>> -> memref<128x64xf32, #tpu.memory_space<vmem>>
        %parallel_loop3A_397 = arith.index_cast %parallel_loop3A_371 : i32 to index
        %parallel_loop3A_398 = arith.constant 16 : index
        %parallel_loop3A_399 = tpu.vector_load %parallel_loop3A_396[%parallel_loop3A_397, %parallel_loop3A_398] {strides = array<i32>} : memref<128x64xf32, #tpu.memory_space<vmem>>, vector<1x16xf32>,
        %parallel_loop3A_400 = vector.shape_cast %parallel_loop3A_399 : vector<1x16xf32> to vector<16xf32>
        %parallel_loop3A_401 = vector.shape_cast %parallel_loop3A_391 : vector<16xf32> to vector<1x16xf32>
        tpu.vector_store %parallel_loop3A_396[%parallel_loop3A_397, %parallel_loop3A_398], %parallel_loop3A_401 {add = true, strides = array<i32>} : memref<128x64xf32, #tpu.memory_space<vmem>>, vector<1x16xf32>,
        %parallel_loop3A_402 = arith.addi %rem3A_282, %parallel_loop3A_371 : i32
        %parallel_loop3A_403 = arith.index_cast %parallel_loop3A_402 : i32 to index
        %parallel_loop3A_404 = arith.constant 32 : index
        %parallel_loop3A_405 = tpu.vector_load %arg7[%parallel_loop3A_403, %parallel_loop3A_404] {strides = array<i32>} : memref<400x64xf32, #tpu.memory_space<vmem>>, vector<1x16xf32>,
        %parallel_loop3A_406 = vector.shape_cast %parallel_loop3A_405 : vector<1x16xf32> to vector<16xf32>
        %parallel_loop3A_407 = arith.constant 3 : i32
        %parallel_loop3A_408 = arith.constant 0 : i32
        %parallel_loop3A_409 = arith.constant 0 : i32
        %parallel_loop3A_410 = tpu.memref_slice %arg8[%parallel_loop3A_407, %parallel_loop3A_408, %parallel_loop3A_409] : memref<5x128x64xf32, #tpu.memory_space<vmem>> -> memref<1x128x64xf32, #tpu.memory_space<vmem>>
        %parallel_loop3A_411 = tpu.memref_squeeze %parallel_loop3A_410 : memref<1x128x64xf32, #tpu.memory_space<vmem>> -> memref<128x64xf32, #tpu.memory_space<vmem>>
        %parallel_loop3A_412 = arith.index_cast %parallel_loop3A_371 : i32 to index
        %parallel_loop3A_413 = arith.constant 32 : index
        %parallel_loop3A_414 = tpu.vector_load %parallel_loop3A_411[%parallel_loop3A_412, %parallel_loop3A_413] {strides = array<i32>} : memref<128x64xf32, #tpu.memory_space<vmem>>, vector<1x16xf32>,
        %parallel_loop3A_415 = vector.shape_cast %parallel_loop3A_414 : vector<1x16xf32> to vector<16xf32>
        %parallel_loop3A_416 = vector.shape_cast %parallel_loop3A_406 : vector<16xf32> to vector<1x16xf32>
        tpu.vector_store %parallel_loop3A_411[%parallel_loop3A_412, %parallel_loop3A_413], %parallel_loop3A_416 {add = true, strides = array<i32>} : memref<128x64xf32, #tpu.memory_space<vmem>>, vector<1x16xf32>,
        %parallel_loop3A_417 = arith.addi %rem3A_282, %parallel_loop3A_371 : i32
        %parallel_loop3A_418 = arith.index_cast %parallel_loop3A_417 : i32 to index
        %parallel_loop3A_419 = arith.constant 48 : index
        %parallel_loop3A_420 = tpu.vector_load %arg7[%parallel_loop3A_418, %parallel_loop3A_419] {strides = array<i32>} : memref<400x64xf32, #tpu.memory_space<vmem>>, vector<1x16xf32>,
        %parallel_loop3A_421 = vector.shape_cast %parallel_loop3A_420 : vector<1x16xf32> to vector<16xf32>
        %parallel_loop3A_422 = arith.constant 3 : i32
        %parallel_loop3A_423 = arith.constant 0 : i32
        %parallel_loop3A_424 = arith.constant 0 : i32
        %parallel_loop3A_425 = tpu.memref_slice %arg8[%parallel_loop3A_422, %parallel_loop3A_423, %parallel_loop3A_424] : memref<5x128x64xf32, #tpu.memory_space<vmem>> -> memref<1x128x64xf32, #tpu.memory_space<vmem>>
        %parallel_loop3A_426 = tpu.memref_squeeze %parallel_loop3A_425 : memref<1x128x64xf32, #tpu.memory_space<vmem>> -> memref<128x64xf32, #tpu.memory_space<vmem>>
        %parallel_loop3A_427 = arith.index_cast %parallel_loop3A_371 : i32 to index
        %parallel_loop3A_428 = arith.constant 48 : index
        %parallel_loop3A_429 = tpu.vector_load %parallel_loop3A_426[%parallel_loop3A_427, %parallel_loop3A_428] {strides = array<i32>} : memref<128x64xf32, #tpu.memory_space<vmem>>, vector<1x16xf32>,
        %parallel_loop3A_430 = vector.shape_cast %parallel_loop3A_429 : vector<1x16xf32> to vector<16xf32>
        %parallel_loop3A_431 = vector.shape_cast %parallel_loop3A_421 : vector<16xf32> to vector<1x16xf32>
        tpu.vector_store %parallel_loop3A_426[%parallel_loop3A_427, %parallel_loop3A_428], %parallel_loop3A_431 {add = true, strides = array<i32>} : memref<128x64xf32, #tpu.memory_space<vmem>>, vector<1x16xf32>,
      } {sc.loop_unroll_factor = 8 : i64, sc.parallel_access}
      %mul3A_286 = arith.constant 128 : i32
      %mul3A_287 = arith.muli %add3A_266, %mul3A_286 : i32
      %add3A_288 = arith.addi %mul3A_2, %mul3A_287 : i32
      %dma_start3A_289 = arith.constant 3 : i32
      %dma_start3A_290 = arith.constant 0 : i32
      %dma_start3A_291 = arith.constant 0 : i32
      %dma_start3A_292 = tpu.memref_slice %arg8[%dma_start3A_289, %dma_start3A_290, %dma_start3A_291] : memref<5x128x64xf32, #tpu.memory_space<vmem>> -> memref<1x128x64xf32, #tpu.memory_space<vmem>>
      %dma_start3A_293 = tpu.memref_squeeze %dma_start3A_292 : memref<1x128x64xf32, #tpu.memory_space<vmem>> -> memref<128x64xf32, #tpu.memory_space<vmem>>
      %dma_start3A_294 = arith.constant 0 : i32
      %dma_start3A_295 = tpu.memref_slice %arg5[%add3A_288, %dma_start3A_294] : memref<204800x64xf32, #tpu.memory_space<hbm>> -> memref<128x64xf32, #tpu.memory_space<hbm>>
      %dma_start3A_296 = arith.constant 0 : i32
      %dma_start3A_297 = tpu.memref_slice %arg5[%add3A_288, %dma_start3A_296] : memref<204800x64xf32, #tpu.memory_space<hbm>> -> memref<128x64xf32, #tpu.memory_space<hbm>>
      %dma_start3A_298 = arith.constant 0 : i32
      %dma_start3A_299 = arith.constant 0 : i32
      %dma_start3A_300 = tpu.memref_slice %arg8[%dma_start3A_289, %dma_start3A_298, %dma_start3A_299] : memref<5x128x64xf32, #tpu.memory_space<vmem>> -> memref<1x128x64xf32, #tpu.memory_space<vmem>>
      %dma_start3A_301 = tpu.memref_squeeze %dma_start3A_300 : memref<1x128x64xf32, #tpu.memory_space<vmem>> -> memref<128x64xf32, #tpu.memory_space<vmem>>
      tpu.enqueue_dma source(%dma_start3A_301 : memref<128x64xf32, #tpu.memory_space<vmem>>) target(%dma_start3A_297 : memref<128x64xf32, #tpu.memory_space<hbm>>) target_semaphore(%arg17 : memref<!tpu.dma_semaphore, #tpu.memory_space<semaphore_mem>>)
      %add3A_302 = arith.constant 3 : i32
      %add3A_303 = arith.addi %add3A_266, %add3A_302 : i32
      %ge3A_304 = arith.constant 2 : i32
      %ge3A_305 = arith.cmpi sge, %add3A_266, %ge3A_304 : i32
      %lt3A_306 = arith.constant 47 : i32
      %lt3A_307 = arith.cmpi slt, %add3A_266, %lt3A_306 : i32
      %and3A_308 = arith.andi %ge3A_305, %lt3A_307 : i1
      %convert_element_type3A_309 = arith.extui %and3A_308 : i1 to i32
      %cond3A_310 = arith.constant 0 : i32
      %cond3A_311 = arith.cmpi ne, %convert_element_type3A_309, %cond3A_310 : i32
      scf.if %cond3A_311 {
        %dma_wait3A_371 = arith.constant 1 : i32
        %dma_wait3A_372 = arith.constant 0 : i32
        %dma_wait3A_373 = arith.constant 0 : i32
        %dma_wait3A_374 = tpu.memref_slice %arg8[%dma_wait3A_371, %dma_wait3A_372, %dma_wait3A_373] : memref<5x128x64xf32, #tpu.memory_space<vmem>> -> memref<1x128x64xf32, #tpu.memory_space<vmem>>
        %dma_wait3A_375 = tpu.memref_squeeze %dma_wait3A_374 : memref<1x128x64xf32, #tpu.memory_space<vmem>> -> memref<128x64xf32, #tpu.memory_space<vmem>>
        %dma_wait3A_376 = arith.constant 0 : i32
        %dma_wait3A_377 = tpu.memref_slice %arg5[%mul3A_2, %dma_wait3A_376] : memref<204800x64xf32, #tpu.memory_space<hbm>> -> memref<128x64xf32, #tpu.memory_space<hbm>>
        %dma_wait3A_378 = arith.constant 0 : i32
        %dma_wait3A_379 = tpu.memref_slice %arg5[%mul3A_2, %dma_wait3A_378] : memref<204800x64xf32, #tpu.memory_space<hbm>> -> memref<128x64xf32, #tpu.memory_space<hbm>>
        %dma_wait3A_380 = arith.constant 0 : i32
        %dma_wait3A_381 = arith.constant 0 : i32
        %dma_wait3A_382 = tpu.memref_slice %arg8[%dma_wait3A_371, %dma_wait3A_380, %dma_wait3A_381] : memref<5x128x64xf32, #tpu.memory_space<vmem>> -> memref<1x128x64xf32, #tpu.memory_space<vmem>>
        %dma_wait3A_383 = tpu.memref_squeeze %dma_wait3A_382 : memref<1x128x64xf32, #tpu.memory_space<vmem>> -> memref<128x64xf32, #tpu.memory_space<vmem>>
        tpu.wait_dma2 semaphore(%arg15 : memref<!tpu.dma_semaphore, #tpu.memory_space<semaphore_mem>>) src(%dma_wait3A_383 : memref<128x64xf32, #tpu.memory_space<vmem>>) dst(%dma_wait3A_379 : memref<128x64xf32, #tpu.memory_space<hbm>>)
      } else {
      }
      %lt3A_312 = arith.constant 47 : i32
      %lt3A_313 = arith.cmpi slt, %add3A_266, %lt3A_312 : i32
      %convert_element_type3A_314 = arith.extui %lt3A_313 : i1 to i32
      %cond3A_315 = arith.constant 0 : i32
      %cond3A_316 = arith.cmpi ne, %convert_element_type3A_314, %cond3A_315 : i32
      scf.if %cond3A_316 {
        %dma_start3A_371 = arith.constant 1 : i32
        %dma_start3A_372 = arith.constant 0 : i32
        %dma_start3A_373 = arith.constant 0 : i32
        %dma_start3A_374 = tpu.memref_slice %arg8[%dma_start3A_371, %dma_start3A_372, %dma_start3A_373] : memref<5x128x64xf32, #tpu.memory_space<vmem>> -> memref<1x128x64xf32, #tpu.memory_space<vmem>>
        %dma_start3A_375 = tpu.memref_squeeze %dma_start3A_374 : memref<1x128x64xf32, #tpu.memory_space<vmem>> -> memref<128x64xf32, #tpu.memory_space<vmem>>
        %dma_start3A_376 = arith.constant 0 : i32
        %dma_start3A_377 = tpu.memref_slice %arg6[%add3A_303, %dma_start3A_376] : memref<50x128xi32, #tpu.memory_space<vmem>> -> memref<1x128xi32, #tpu.memory_space<vmem>>
        %dma_start3A_378 = tpu.memref_squeeze %dma_start3A_377 : memref<1x128xi32, #tpu.memory_space<vmem>> -> memref<128xi32, #tpu.memory_space<vmem>>
        %dma_start3A_379 = arith.constant 0 : i32
        %dma_start3A_380 = arith.constant 0 : i32
        %dma_start3A_381 = tpu.memref_slice %arg3[%dma_start3A_379, %dma_start3A_380] : memref<1000000x64xf32, #tpu.memory_space<hbm>> -> memref<1000000x64xf32, #tpu.memory_space<hbm>>
        tpu.enqueue_indirect_dma source(%dma_start3A_381 : memref<1000000x64xf32, #tpu.memory_space<hbm>>) target(%dma_start3A_375 : memref<128x64xf32, #tpu.memory_space<vmem>>) offsets(%dma_start3A_378 : memref<128xi32, #tpu.memory_space<vmem>>) semaphore(%arg10 : memref<!tpu.dma_semaphore, #tpu.memory_space<semaphore_mem>>)
      } else {
      }
      %mul3A_317 = arith.constant 5 : i32
      %mul3A_318 = arith.muli %scan3A_107, %mul3A_317 : i32
      %add3A_319 = arith.constant 4 : i32
      %add3A_320 = arith.addi %mul3A_318, %add3A_319 : i32
      %dma_wait3A_321 = arith.constant 0 : i32
      %dma_wait3A_322 = arith.constant 4 : i32
      %dma_wait3A_323 = arith.constant 0 : i32
      %dma_wait3A_324 = arith.constant 0 : i32
      %dma_wait3A_325 = tpu.memref_slice %arg8[%dma_wait3A_322, %dma_wait3A_323, %dma_wait3A_324] : memref<5x128x64xf32, #tpu.memory_space<vmem>> -> memref<1x128x64xf32, #tpu.memory_space<vmem>>
      %dma_wait3A_326 = tpu.memref_squeeze %dma_wait3A_325 : memref<1x128x64xf32, #tpu.memory_space<vmem>> -> memref<128x64xf32, #tpu.memory_space<vmem>>
      %dma_wait3A_327 = arith.constant 0 : i32
      %dma_wait3A_328 = tpu.memref_slice %arg6[%dma_wait3A_321, %dma_wait3A_327] : memref<50x128xi32, #tpu.memory_space<vmem>> -> memref<1x128xi32, #tpu.memory_space<vmem>>
      %dma_wait3A_329 = tpu.memref_squeeze %dma_wait3A_328 : memref<1x128xi32, #tpu.memory_space<vmem>> -> memref<128xi32, #tpu.memory_space<vmem>>
      %dma_wait3A_330 = arith.constant 0 : i32
      %dma_wait3A_331 = arith.constant 0 : i32
      %dma_wait3A_332 = tpu.memref_slice %arg3[%dma_wait3A_330, %dma_wait3A_331] : memref<1000000x64xf32, #tpu.memory_space<hbm>> -> memref<1000000x64xf32, #tpu.memory_space<hbm>>
      tpu.wait_indirect_dma semaphore(%arg13 : memref<!tpu.dma_semaphore, #tpu.memory_space<semaphore_mem>>) src(%dma_wait3A_332 : memref<1000000x64xf32, #tpu.memory_space<hbm>>) dst(%dma_wait3A_326 : memref<128x64xf32, #tpu.memory_space<vmem>>)
      %mul3A_333 = arith.constant 128 : i32
      %mul3A_334 = arith.muli %add3A_320, %mul3A_333 : i32
      %rem3A_335 = arith.constant 200 : i32
      %rem3A_336 = arith.remsi %mul3A_334, %rem3A_335 : i32
      %parallel_loop3A_337 = arith.constant 0 : i32
      %parallel_loop3A_338 = arith.constant 128 : i32
      %parallel_loop3A_339 = arith.constant 1 : i32
      scf.for %parallel_loop3A_371 = %parallel_loop3A_337 to %parallel_loop3A_338 step %parallel_loop3A_339  : i32 {
        %parallel_loop3A_372 = arith.addi %rem3A_336, %parallel_loop3A_371 : i32
        %parallel_loop3A_373 = arith.index_cast %parallel_loop3A_372 : i32 to index
        %parallel_loop3A_374 = arith.constant 0 : index
        %parallel_loop3A_375 = tpu.vector_load %arg7[%parallel_loop3A_373, %parallel_loop3A_374] {strides = array<i32>} : memref<400x64xf32, #tpu.memory_space<vmem>>, vector<1x16xf32>,
        %parallel_loop3A_376 = vector.shape_cast %parallel_loop3A_375 : vector<1x16xf32> to vector<16xf32>
        %parallel_loop3A_377 = arith.constant 4 : i32
        %parallel_loop3A_378 = arith.constant 0 : i32
        %parallel_loop3A_379 = arith.constant 0 : i32
        %parallel_loop3A_380 = tpu.memref_slice %arg8[%parallel_loop3A_377, %parallel_loop3A_378, %parallel_loop3A_379] : memref<5x128x64xf32, #tpu.memory_space<vmem>> -> memref<1x128x64xf32, #tpu.memory_space<vmem>>
        %parallel_loop3A_381 = tpu.memref_squeeze %parallel_loop3A_380 : memref<1x128x64xf32, #tpu.memory_space<vmem>> -> memref<128x64xf32, #tpu.memory_space<vmem>>
        %parallel_loop3A_382 = arith.index_cast %parallel_loop3A_371 : i32 to index
        %parallel_loop3A_383 = arith.constant 0 : index
        %parallel_loop3A_384 = tpu.vector_load %parallel_loop3A_381[%parallel_loop3A_382, %parallel_loop3A_383] {strides = array<i32>} : memref<128x64xf32, #tpu.memory_space<vmem>>, vector<1x16xf32>,
        %parallel_loop3A_385 = vector.shape_cast %parallel_loop3A_384 : vector<1x16xf32> to vector<16xf32>
        %parallel_loop3A_386 = vector.shape_cast %parallel_loop3A_376 : vector<16xf32> to vector<1x16xf32>
        tpu.vector_store %parallel_loop3A_381[%parallel_loop3A_382, %parallel_loop3A_383], %parallel_loop3A_386 {add = true, strides = array<i32>} : memref<128x64xf32, #tpu.memory_space<vmem>>, vector<1x16xf32>,
        %parallel_loop3A_387 = arith.addi %rem3A_336, %parallel_loop3A_371 : i32
        %parallel_loop3A_388 = arith.index_cast %parallel_loop3A_387 : i32 to index
        %parallel_loop3A_389 = arith.constant 16 : index
        %parallel_loop3A_390 = tpu.vector_load %arg7[%parallel_loop3A_388, %parallel_loop3A_389] {strides = array<i32>} : memref<400x64xf32, #tpu.memory_space<vmem>>, vector<1x16xf32>,
        %parallel_loop3A_391 = vector.shape_cast %parallel_loop3A_390 : vector<1x16xf32> to vector<16xf32>
        %parallel_loop3A_392 = arith.constant 4 : i32
        %parallel_loop3A_393 = arith.constant 0 : i32
        %parallel_loop3A_394 = arith.constant 0 : i32
        %parallel_loop3A_395 = tpu.memref_slice %arg8[%parallel_loop3A_392, %parallel_loop3A_393, %parallel_loop3A_394] : memref<5x128x64xf32, #tpu.memory_space<vmem>> -> memref<1x128x64xf32, #tpu.memory_space<vmem>>
        %parallel_loop3A_396 = tpu.memref_squeeze %parallel_loop3A_395 : memref<1x128x64xf32, #tpu.memory_space<vmem>> -> memref<128x64xf32, #tpu.memory_space<vmem>>
        %parallel_loop3A_397 = arith.index_cast %parallel_loop3A_371 : i32 to index
        %parallel_loop3A_398 = arith.constant 16 : index
        %parallel_loop3A_399 = tpu.vector_load %parallel_loop3A_396[%parallel_loop3A_397, %parallel_loop3A_398] {strides = array<i32>} : memref<128x64xf32, #tpu.memory_space<vmem>>, vector<1x16xf32>,
        %parallel_loop3A_400 = vector.shape_cast %parallel_loop3A_399 : vector<1x16xf32> to vector<16xf32>
        %parallel_loop3A_401 = vector.shape_cast %parallel_loop3A_391 : vector<16xf32> to vector<1x16xf32>
        tpu.vector_store %parallel_loop3A_396[%parallel_loop3A_397, %parallel_loop3A_398], %parallel_loop3A_401 {add = true, strides = array<i32>} : memref<128x64xf32, #tpu.memory_space<vmem>>, vector<1x16xf32>,
        %parallel_loop3A_402 = arith.addi %rem3A_336, %parallel_loop3A_371 : i32
        %parallel_loop3A_403 = arith.index_cast %parallel_loop3A_402 : i32 to index
        %parallel_loop3A_404 = arith.constant 32 : index
        %parallel_loop3A_405 = tpu.vector_load %arg7[%parallel_loop3A_403, %parallel_loop3A_404] {strides = array<i32>} : memref<400x64xf32, #tpu.memory_space<vmem>>, vector<1x16xf32>,
        %parallel_loop3A_406 = vector.shape_cast %parallel_loop3A_405 : vector<1x16xf32> to vector<16xf32>
        %parallel_loop3A_407 = arith.constant 4 : i32
        %parallel_loop3A_408 = arith.constant 0 : i32
        %parallel_loop3A_409 = arith.constant 0 : i32
        %parallel_loop3A_410 = tpu.memref_slice %arg8[%parallel_loop3A_407, %parallel_loop3A_408, %parallel_loop3A_409] : memref<5x128x64xf32, #tpu.memory_space<vmem>> -> memref<1x128x64xf32, #tpu.memory_space<vmem>>
        %parallel_loop3A_411 = tpu.memref_squeeze %parallel_loop3A_410 : memref<1x128x64xf32, #tpu.memory_space<vmem>> -> memref<128x64xf32, #tpu.memory_space<vmem>>
        %parallel_loop3A_412 = arith.index_cast %parallel_loop3A_371 : i32 to index
        %parallel_loop3A_413 = arith.constant 32 : index
        %parallel_loop3A_414 = tpu.vector_load %parallel_loop3A_411[%parallel_loop3A_412, %parallel_loop3A_413] {strides = array<i32>} : memref<128x64xf32, #tpu.memory_space<vmem>>, vector<1x16xf32>,
        %parallel_loop3A_415 = vector.shape_cast %parallel_loop3A_414 : vector<1x16xf32> to vector<16xf32>
        %parallel_loop3A_416 = vector.shape_cast %parallel_loop3A_406 : vector<16xf32> to vector<1x16xf32>
        tpu.vector_store %parallel_loop3A_411[%parallel_loop3A_412, %parallel_loop3A_413], %parallel_loop3A_416 {add = true, strides = array<i32>} : memref<128x64xf32, #tpu.memory_space<vmem>>, vector<1x16xf32>,
        %parallel_loop3A_417 = arith.addi %rem3A_336, %parallel_loop3A_371 : i32
        %parallel_loop3A_418 = arith.index_cast %parallel_loop3A_417 : i32 to index
        %parallel_loop3A_419 = arith.constant 48 : index
        %parallel_loop3A_420 = tpu.vector_load %arg7[%parallel_loop3A_418, %parallel_loop3A_419] {strides = array<i32>} : memref<400x64xf32, #tpu.memory_space<vmem>>, vector<1x16xf32>,
        %parallel_loop3A_421 = vector.shape_cast %parallel_loop3A_420 : vector<1x16xf32> to vector<16xf32>
        %parallel_loop3A_422 = arith.constant 4 : i32
        %parallel_loop3A_423 = arith.constant 0 : i32
        %parallel_loop3A_424 = arith.constant 0 : i32
        %parallel_loop3A_425 = tpu.memref_slice %arg8[%parallel_loop3A_422, %parallel_loop3A_423, %parallel_loop3A_424] : memref<5x128x64xf32, #tpu.memory_space<vmem>> -> memref<1x128x64xf32, #tpu.memory_space<vmem>>
        %parallel_loop3A_426 = tpu.memref_squeeze %parallel_loop3A_425 : memref<1x128x64xf32, #tpu.memory_space<vmem>> -> memref<128x64xf32, #tpu.memory_space<vmem>>
        %parallel_loop3A_427 = arith.index_cast %parallel_loop3A_371 : i32 to index
        %parallel_loop3A_428 = arith.constant 48 : index
        %parallel_loop3A_429 = tpu.vector_load %parallel_loop3A_426[%parallel_loop3A_427, %parallel_loop3A_428] {strides = array<i32>} : memref<128x64xf32, #tpu.memory_space<vmem>>, vector<1x16xf32>,
        %parallel_loop3A_430 = vector.shape_cast %parallel_loop3A_429 : vector<1x16xf32> to vector<16xf32>
        %parallel_loop3A_431 = vector.shape_cast %parallel_loop3A_421 : vector<16xf32> to vector<1x16xf32>
        tpu.vector_store %parallel_loop3A_426[%parallel_loop3A_427, %parallel_loop3A_428], %parallel_loop3A_431 {add = true, strides = array<i32>} : memref<128x64xf32, #tpu.memory_space<vmem>>, vector<1x16xf32>,
      } {sc.loop_unroll_factor = 8 : i64, sc.parallel_access}
      %mul3A_340 = arith.constant 128 : i32
      %mul3A_341 = arith.muli %add3A_320, %mul3A_340 : i32
      %add3A_342 = arith.addi %mul3A_2, %mul3A_341 : i32
      %dma_start3A_343 = arith.constant 4 : i32
      %dma_start3A_344 = arith.constant 0 : i32
      %dma_start3A_345 = arith.constant 0 : i32
      %dma_start3A_346 = tpu.memref_slice %arg8[%dma_start3A_343, %dma_start3A_344, %dma_start3A_345] : memref<5x128x64xf32, #tpu.memory_space<vmem>> -> memref<1x128x64xf32, #tpu.memory_space<vmem>>
      %dma_start3A_347 = tpu.memref_squeeze %dma_start3A_346 : memref<1x128x64xf32, #tpu.memory_space<vmem>> -> memref<128x64xf32, #tpu.memory_space<vmem>>
      %dma_start3A_348 = arith.constant 0 : i32
      %dma_start3A_349 = tpu.memref_slice %arg5[%add3A_342, %dma_start3A_348] : memref<204800x64xf32, #tpu.memory_space<hbm>> -> memref<128x64xf32, #tpu.memory_space<hbm>>
      %dma_start3A_350 = arith.constant 0 : i32
      %dma_start3A_351 = tpu.memref_slice %arg5[%add3A_342, %dma_start3A_350] : memref<204800x64xf32, #tpu.memory_space<hbm>> -> memref<128x64xf32, #tpu.memory_space<hbm>>
      %dma_start3A_352 = arith.constant 0 : i32
      %dma_start3A_353 = arith.constant 0 : i32
      %dma_start3A_354 = tpu.memref_slice %arg8[%dma_start3A_343, %dma_start3A_352, %dma_start3A_353] : memref<5x128x64xf32, #tpu.memory_space<vmem>> -> memref<1x128x64xf32, #tpu.memory_space<vmem>>
      %dma_start3A_355 = tpu.memref_squeeze %dma_start3A_354 : memref<1x128x64xf32, #tpu.memory_space<vmem>> -> memref<128x64xf32, #tpu.memory_space<vmem>>
      tpu.enqueue_dma source(%dma_start3A_355 : memref<128x64xf32, #tpu.memory_space<vmem>>) target(%dma_start3A_351 : memref<128x64xf32, #tpu.memory_space<hbm>>) target_semaphore(%arg18 : memref<!tpu.dma_semaphore, #tpu.memory_space<semaphore_mem>>)
      %add3A_356 = arith.constant 3 : i32
      %add3A_357 = arith.addi %add3A_320, %add3A_356 : i32
      %ge3A_358 = arith.constant 2 : i32
      %ge3A_359 = arith.cmpi sge, %add3A_320, %ge3A_358 : i32
      %lt3A_360 = arith.constant 47 : i32
      %lt3A_361 = arith.cmpi slt, %add3A_320, %lt3A_360 : i32
      %and3A_362 = arith.andi %ge3A_359, %lt3A_361 : i1
      %convert_element_type3A_363 = arith.extui %and3A_362 : i1 to i32
      %cond3A_364 = arith.constant 0 : i32
      %cond3A_365 = arith.cmpi ne, %convert_element_type3A_363, %cond3A_364 : i32
      scf.if %cond3A_365 {
        %dma_wait3A_371 = arith.constant 2 : i32
        %dma_wait3A_372 = arith.constant 0 : i32
        %dma_wait3A_373 = arith.constant 0 : i32
        %dma_wait3A_374 = tpu.memref_slice %arg8[%dma_wait3A_371, %dma_wait3A_372, %dma_wait3A_373] : memref<5x128x64xf32, #tpu.memory_space<vmem>> -> memref<1x128x64xf32, #tpu.memory_space<vmem>>
        %dma_wait3A_375 = tpu.memref_squeeze %dma_wait3A_374 : memref<1x128x64xf32, #tpu.memory_space<vmem>> -> memref<128x64xf32, #tpu.memory_space<vmem>>
        %dma_wait3A_376 = arith.constant 0 : i32
        %dma_wait3A_377 = tpu.memref_slice %arg5[%mul3A_2, %dma_wait3A_376] : memref<204800x64xf32, #tpu.memory_space<hbm>> -> memref<128x64xf32, #tpu.memory_space<hbm>>
        %dma_wait3A_378 = arith.constant 0 : i32
        %dma_wait3A_379 = tpu.memref_slice %arg5[%mul3A_2, %dma_wait3A_378] : memref<204800x64xf32, #tpu.memory_space<hbm>> -> memref<128x64xf32, #tpu.memory_space<hbm>>
        %dma_wait3A_380 = arith.constant 0 : i32
        %dma_wait3A_381 = arith.constant 0 : i32
        %dma_wait3A_382 = tpu.memref_slice %arg8[%dma_wait3A_371, %dma_wait3A_380, %dma_wait3A_381] : memref<5x128x64xf32, #tpu.memory_space<vmem>> -> memref<1x128x64xf32, #tpu.memory_space<vmem>>
        %dma_wait3A_383 = tpu.memref_squeeze %dma_wait3A_382 : memref<1x128x64xf32, #tpu.memory_space<vmem>> -> memref<128x64xf32, #tpu.memory_space<vmem>>
        tpu.wait_dma2 semaphore(%arg16 : memref<!tpu.dma_semaphore, #tpu.memory_space<semaphore_mem>>) src(%dma_wait3A_383 : memref<128x64xf32, #tpu.memory_space<vmem>>) dst(%dma_wait3A_379 : memref<128x64xf32, #tpu.memory_space<hbm>>)
      } else {
      }
      %lt3A_366 = arith.constant 47 : i32
      %lt3A_367 = arith.cmpi slt, %add3A_320, %lt3A_366 : i32
      %convert_element_type3A_368 = arith.extui %lt3A_367 : i1 to i32
      %cond3A_369 = arith.constant 0 : i32
      %cond3A_370 = arith.cmpi ne, %convert_element_type3A_368, %cond3A_369 : i32
      scf.if %cond3A_370 {
        %dma_start3A_371 = arith.constant 2 : i32
        %dma_start3A_372 = arith.constant 0 : i32
        %dma_start3A_373 = arith.constant 0 : i32
        %dma_start3A_374 = tpu.memref_slice %arg8[%dma_start3A_371, %dma_start3A_372, %dma_start3A_373] : memref<5x128x64xf32, #tpu.memory_space<vmem>> -> memref<1x128x64xf32, #tpu.memory_space<vmem>>
        %dma_start3A_375 = tpu.memref_squeeze %dma_start3A_374 : memref<1x128x64xf32, #tpu.memory_space<vmem>> -> memref<128x64xf32, #tpu.memory_space<vmem>>
        %dma_start3A_376 = arith.constant 0 : i32
        %dma_start3A_377 = tpu.memref_slice %arg6[%add3A_357, %dma_start3A_376] : memref<50x128xi32, #tpu.memory_space<vmem>> -> memref<1x128xi32, #tpu.memory_space<vmem>>
        %dma_start3A_378 = tpu.memref_squeeze %dma_start3A_377 : memref<1x128xi32, #tpu.memory_space<vmem>> -> memref<128xi32, #tpu.memory_space<vmem>>
        %dma_start3A_379 = arith.constant 0 : i32
        %dma_start3A_380 = arith.constant 0 : i32
        %dma_start3A_381 = tpu.memref_slice %arg3[%dma_start3A_379, %dma_start3A_380] : memref<1000000x64xf32, #tpu.memory_space<hbm>> -> memref<1000000x64xf32, #tpu.memory_space<hbm>>
        tpu.enqueue_indirect_dma source(%dma_start3A_381 : memref<1000000x64xf32, #tpu.memory_space<hbm>>) target(%dma_start3A_375 : memref<128x64xf32, #tpu.memory_space<vmem>>) offsets(%dma_start3A_378 : memref<128xi32, #tpu.memory_space<vmem>>) semaphore(%arg11 : memref<!tpu.dma_semaphore, #tpu.memory_space<semaphore_mem>>)
      } else {
      }
    }
    %scan3A_42 = arith.constant 10 : i32
    %dma_wait3A = arith.constant 0 : i32
    %dma_wait3A_43 = arith.constant 0 : i32
    %dma_wait3A_44 = arith.constant 0 : i32
    %dma_wait3A_45 = tpu.memref_slice %arg8[%dma_wait3A, %dma_wait3A_43, %dma_wait3A_44] : memref<5x128x64xf32, #tpu.memory_space<vmem>> -> memref<1x128x64xf32, #tpu.memory_space<vmem>>
    %dma_wait3A_46 = tpu.memref_squeeze %dma_wait3A_45 : memref<1x128x64xf32, #tpu.memory_space<vmem>> -> memref<128x64xf32, #tpu.memory_space<vmem>>
    %dma_wait3A_47 = arith.constant 0 : i32
    %dma_wait3A_48 = tpu.memref_slice %arg5[%mul3A_2, %dma_wait3A_47] : memref<204800x64xf32, #tpu.memory_space<hbm>> -> memref<128x64xf32, #tpu.memory_space<hbm>>
    %dma_wait3A_49 = arith.constant 0 : i32
    %dma_wait3A_50 = tpu.memref_slice %arg5[%mul3A_2, %dma_wait3A_49] : memref<204800x64xf32, #tpu.memory_space<hbm>> -> memref<128x64xf32, #tpu.memory_space<hbm>>
    %dma_wait3A_51 = arith.constant 0 : i32
    %dma_wait3A_52 = arith.constant 0 : i32
    %dma_wait3A_53 = tpu.memref_slice %arg8[%dma_wait3A, %dma_wait3A_51, %dma_wait3A_52] : memref<5x128x64xf32, #tpu.memory_space<vmem>> -> memref<1x128x64xf32, #tpu.memory_space<vmem>>
    %dma_wait3A_54 = tpu.memref_squeeze %dma_wait3A_53 : memref<1x128x64xf32, #tpu.memory_space<vmem>> -> memref<128x64xf32, #tpu.memory_space<vmem>>
    tpu.wait_dma2 semaphore(%arg14 : memref<!tpu.dma_semaphore, #tpu.memory_space<semaphore_mem>>) src(%dma_wait3A_54 : memref<128x64xf32, #tpu.memory_space<vmem>>) dst(%dma_wait3A_50 : memref<128x64xf32, #tpu.memory_space<hbm>>)
    %dma_wait3A_55 = arith.constant 1 : i32
    %dma_wait3A_56 = arith.constant 0 : i32
    %dma_wait3A_57 = arith.constant 0 : i32
    %dma_wait3A_58 = tpu.memref_slice %arg8[%dma_wait3A_55, %dma_wait3A_56, %dma_wait3A_57] : memref<5x128x64xf32, #tpu.memory_space<vmem>> -> memref<1x128x64xf32, #tpu.memory_space<vmem>>
    %dma_wait3A_59 = tpu.memref_squeeze %dma_wait3A_58 : memref<1x128x64xf32, #tpu.memory_space<vmem>> -> memref<128x64xf32, #tpu.memory_space<vmem>>
    %dma_wait3A_60 = arith.constant 0 : i32
    %dma_wait3A_61 = tpu.memref_slice %arg5[%mul3A_2, %dma_wait3A_60] : memref<204800x64xf32, #tpu.memory_space<hbm>> -> memref<128x64xf32, #tpu.memory_space<hbm>>
    %dma_wait3A_62 = arith.constant 0 : i32
    %dma_wait3A_63 = tpu.memref_slice %arg5[%mul3A_2, %dma_wait3A_62] : memref<204800x64xf32, #tpu.memory_space<hbm>> -> memref<128x64xf32, #tpu.memory_space<hbm>>
    %dma_wait3A_64 = arith.constant 0 : i32
    %dma_wait3A_65 = arith.constant 0 : i32
    %dma_wait3A_66 = tpu.memref_slice %arg8[%dma_wait3A_55, %dma_wait3A_64, %dma_wait3A_65] : memref<5x128x64xf32, #tpu.memory_space<vmem>> -> memref<1x128x64xf32, #tpu.memory_space<vmem>>
    %dma_wait3A_67 = tpu.memref_squeeze %dma_wait3A_66 : memref<1x128x64xf32, #tpu.memory_space<vmem>> -> memref<128x64xf32, #tpu.memory_space<vmem>>
    tpu.wait_dma2 semaphore(%arg15 : memref<!tpu.dma_semaphore, #tpu.memory_space<semaphore_mem>>) src(%dma_wait3A_67 : memref<128x64xf32, #tpu.memory_space<vmem>>) dst(%dma_wait3A_63 : memref<128x64xf32, #tpu.memory_space<hbm>>)
    %dma_wait3A_68 = arith.constant 2 : i32
    %dma_wait3A_69 = arith.constant 0 : i32
    %dma_wait3A_70 = arith.constant 0 : i32
    %dma_wait3A_71 = tpu.memref_slice %arg8[%dma_wait3A_68, %dma_wait3A_69, %dma_wait3A_70] : memref<5x128x64xf32, #tpu.memory_space<vmem>> -> memref<1x128x64xf32, #tpu.memory_space<vmem>>
    %dma_wait3A_72 = tpu.memref_squeeze %dma_wait3A_71 : memref<1x128x64xf32, #tpu.memory_space<vmem>> -> memref<128x64xf32, #tpu.memory_space<vmem>>
    %dma_wait3A_73 = arith.constant 0 : i32
    %dma_wait3A_74 = tpu.memref_slice %arg5[%mul3A_2, %dma_wait3A_73] : memref<204800x64xf32, #tpu.memory_space<hbm>> -> memref<128x64xf32, #tpu.memory_space<hbm>>
    %dma_wait3A_75 = arith.constant 0 : i32
    %dma_wait3A_76 = tpu.memref_slice %arg5[%mul3A_2, %dma_wait3A_75] : memref<204800x64xf32, #tpu.memory_space<hbm>> -> memref<128x64xf32, #tpu.memory_space<hbm>>
    %dma_wait3A_77 = arith.constant 0 : i32
    %dma_wait3A_78 = arith.constant 0 : i32
    %dma_wait3A_79 = tpu.memref_slice %arg8[%dma_wait3A_68, %dma_wait3A_77, %dma_wait3A_78] : memref<5x128x64xf32, #tpu.memory_space<vmem>> -> memref<1x128x64xf32, #tpu.memory_space<vmem>>
    %dma_wait3A_80 = tpu.memref_squeeze %dma_wait3A_79 : memref<1x128x64xf32, #tpu.memory_space<vmem>> -> memref<128x64xf32, #tpu.memory_space<vmem>>
    tpu.wait_dma2 semaphore(%arg16 : memref<!tpu.dma_semaphore, #tpu.memory_space<semaphore_mem>>) src(%dma_wait3A_80 : memref<128x64xf32, #tpu.memory_space<vmem>>) dst(%dma_wait3A_76 : memref<128x64xf32, #tpu.memory_space<hbm>>)
    %dma_wait3A_81 = arith.constant 3 : i32
    %dma_wait3A_82 = arith.constant 0 : i32
    %dma_wait3A_83 = arith.constant 0 : i32
    %dma_wait3A_84 = tpu.memref_slice %arg8[%dma_wait3A_81, %dma_wait3A_82, %dma_wait3A_83] : memref<5x128x64xf32, #tpu.memory_space<vmem>> -> memref<1x128x64xf32, #tpu.memory_space<vmem>>
    %dma_wait3A_85 = tpu.memref_squeeze %dma_wait3A_84 : memref<1x128x64xf32, #tpu.memory_space<vmem>> -> memref<128x64xf32, #tpu.memory_space<vmem>>
    %dma_wait3A_86 = arith.constant 0 : i32
    %dma_wait3A_87 = tpu.memref_slice %arg5[%mul3A_2, %dma_wait3A_86] : memref<204800x64xf32, #tpu.memory_space<hbm>> -> memref<128x64xf32, #tpu.memory_space<hbm>>
    %dma_wait3A_88 = arith.constant 0 : i32
    %dma_wait3A_89 = tpu.memref_slice %arg5[%mul3A_2, %dma_wait3A_88] : memref<204800x64xf32, #tpu.memory_space<hbm>> -> memref<128x64xf32, #tpu.memory_space<hbm>>
    %dma_wait3A_90 = arith.constant 0 : i32
    %dma_wait3A_91 = arith.constant 0 : i32
    %dma_wait3A_92 = tpu.memref_slice %arg8[%dma_wait3A_81, %dma_wait3A_90, %dma_wait3A_91] : memref<5x128x64xf32, #tpu.memory_space<vmem>> -> memref<1x128x64xf32, #tpu.memory_space<vmem>>
    %dma_wait3A_93 = tpu.memref_squeeze %dma_wait3A_92 : memref<1x128x64xf32, #tpu.memory_space<vmem>> -> memref<128x64xf32, #tpu.memory_space<vmem>>
    tpu.wait_dma2 semaphore(%arg17 : memref<!tpu.dma_semaphore, #tpu.memory_space<semaphore_mem>>) src(%dma_wait3A_93 : memref<128x64xf32, #tpu.memory_space<vmem>>) dst(%dma_wait3A_89 : memref<128x64xf32, #tpu.memory_space<hbm>>)
    %dma_wait3A_94 = arith.constant 4 : i32
    %dma_wait3A_95 = arith.constant 0 : i32
    %dma_wait3A_96 = arith.constant 0 : i32
    %dma_wait3A_97 = tpu.memref_slice %arg8[%dma_wait3A_94, %dma_wait3A_95, %dma_wait3A_96] : memref<5x128x64xf32, #tpu.memory_space<vmem>> -> memref<1x128x64xf32, #tpu.memory_space<vmem>>
    %dma_wait3A_98 = tpu.memref_squeeze %dma_wait3A_97 : memref<1x128x64xf32, #tpu.memory_space<vmem>> -> memref<128x64xf32, #tpu.memory_space<vmem>>
    %dma_wait3A_99 = arith.constant 0 : i32
    %dma_wait3A_100 = tpu.memref_slice %arg5[%mul3A_2, %dma_wait3A_99] : memref<204800x64xf32, #tpu.memory_space<hbm>> -> memref<128x64xf32, #tpu.memory_space<hbm>>
    %dma_wait3A_101 = arith.constant 0 : i32
    %dma_wait3A_102 = tpu.memref_slice %arg5[%mul3A_2, %dma_wait3A_101] : memref<204800x64xf32, #tpu.memory_space<hbm>> -> memref<128x64xf32, #tpu.memory_space<hbm>>
    %dma_wait3A_103 = arith.constant 0 : i32
    %dma_wait3A_104 = arith.constant 0 : i32
    %dma_wait3A_105 = tpu.memref_slice %arg8[%dma_wait3A_94, %dma_wait3A_103, %dma_wait3A_104] : memref<5x128x64xf32, #tpu.memory_space<vmem>> -> memref<1x128x64xf32, #tpu.memory_space<vmem>>
    %dma_wait3A_106 = tpu.memref_squeeze %dma_wait3A_105 : memref<1x128x64xf32, #tpu.memory_space<vmem>> -> memref<128x64xf32, #tpu.memory_space<vmem>>
    tpu.wait_dma2 semaphore(%arg18 : memref<!tpu.dma_semaphore, #tpu.memory_space<semaphore_mem>>) src(%dma_wait3A_106 : memref<128x64xf32, #tpu.memory_space<vmem>>) dst(%dma_wait3A_102 : memref<128x64xf32, #tpu.memory_space<hbm>>)
    return
  }
}

</mosaic_0001>

<sc_bundles>
// kernel: kernel.3.cloned.1.call-start
scs
__scs_entry_jumppad:
0x0: {  	(pc) =	sbr.rel $0x88, $3  }
0x1: {  	(tag) =	ssettag $0x0;
	lr =	simm.s32 $0x1  }
0x2: {  	[smem:$0x3F9F] =	sst lr;
	_ =	strace $0xD0000000  }
0x3: {  	_ = 	snop  }
0x4: {  	_ = 	snop  }
0x5: {  	_ = 	snop  }
0x6: {  	_ = 	snop  }
0x7: {  	_ = 	snop  }
__scs_overlays_trampoline_lowered:
0x8: {  	[smem:$0x3FAE] =	sst s0  }
0x9: {  	[smem:$0x3FAF] =	sst s1  }
0xa: {  	[smem:$0x3FB0] =	sst s2  }
0xb: {  	[smem:$0x3FB1] =	sst s3  }
0xc: {  	[smem:$0x3FB2] =	sst s4  }
0xd: {  	[smem:$0x3FB3] =	sst s5  }
0xe: {  	[smem:$0x3FB4] =	sst s6  }
0xf: {  	[smem:$0x3FB5] =	sst s7  }
0x10: {  	[smem:$0x3FB6] =	sst s8  }
0x11: {  	[smem:$0x3FB7] =	sst s9;
	s0 =	simm.s32 @!p0 $0x0  }
0x12: {  	s1 =	sld [smem:$0x3F9D];
	s0 =	simm.s32 @p0 $0x1  }
0x13: {  	[smem:$0x3FB8] =	sst s0;
	s0 =	simm.s32 @!p1 $0x0  }
0x14: {  	s2 =	sld [smem:$0x3F9C];
	s0 =	simm.s32 @p1 $0x1  }
0x15: {  	[smem:$0x3FB9] =	sst s0;
	s0 =	simm.s32 @!p2 $0x0  }
0x16: {  	s3 =	sld [smem:$0x3FDB];
	s0 =	simm.s32 @p2 $0x1  }
0x17: {  	s4 =	simm.s32 $0x1BF5;
	[smem:$0x3FBB] =	sst s0  }
0x18: {  	s0 =	sld [smem:$0x3F9E];
	_ =	swait.ge [sflag:s4], $0x0  }
0x19: {  	s7 =	sld [smem:$0x3F9F]  }
0x1a: {  	s8 =	sadd.s32 $0xFFFFE003, lr  }
0x1b: {  	s9 =	sadd.s32 $0xFFFFFEF7, lr;
	s5 =	simm.s32 $0xFFFFFFFF;
	p2 =	slt.u32 s8, $0xFFFFF086  }
0x1c: {  	p1 =	slt.u32 s9, $0xF7A;
	s5 =	simm.s32 @!p2 $0x0  }
0x1d: {  	s5 =	simm.s32 @p1 $0x1;
	p0 =	seq.s32 s7, s2  }
0x1e: {  	s7 =	smul.u32 @!p0 $0xF7A, s2;
	p2 =	seq.s32 @!p0 s5, $0x0  }
0x1f: {  	s9 =	smul.u32 $0xF7A, s1;
	s8 =	simm.s32 @!p0 $0x1BF5;
	p2 =	por !p2, p0  }
0x20: {  	[sflag:s8] =	ssyncset.s32 @!p0 $0xFFFFF086;
	s6 =	sadd.s32 @!p0 s3, s7;
	s7 =	simm.s32 @!p0 $0x108  }
0x21: {  	s3 =	sadd.s32 s3, s9;
	s6 =	sadd.s32 @!p0 $0x88, s6;
	s7 =	simm.s32 @p2 $0x1082  }
0x22: {  	[simem:s7], [sflag:s8] =	dma.local @!p0 [hbm:s6], $0xF7A  }
0x23: {  	s9 =	sor.u32 $0xD0000000, s2;
	s6 =	simm.s32 $0x108;
	_ =	swait.ge @!p0 [sflag:s8], $0x0  }
0x24: {  	s3 =	sadd.s32 $0x88, s3;
	s6 =	simm.s32 @!p1 $0x1082;
	[sflag:s4] =	ssyncset.s32 $0xFFFFF086  }
0x25: {  	[simem:s6], [sflag:s4] =	dma.local [hbm:s3], $0xF7A  }
0x26: {  	[smem:$0x3F9F] =	sst s1;
	(tag) =	ssettag s2;
	_ =	strace s9  }
0x27: {  	s1 =	sld [smem:$0x3FAF]  }
0x28: {  	s2 =	sld [smem:$0x3FB0]  }
0x29: {  	s4 =	sld [smem:$0x3FB2]  }
0x2a: {  	p0 =	seq.s32 s5, $0x0;
	s5 =	sld [smem:$0x3FB3]  }
0x2b: {  	s6 =	sld [smem:$0x3FB4]  }
0x2c: {  	s7 =	sld [smem:$0x3FB5]  }
0x2d: {  	s3 =	simm.s32 $0x108;
	s8 =	sld [smem:$0x3FB6]  }
0x2e: {  	s3 =	simm.s32 @!p0 $0x1082;
	s9 =	sld [smem:$0x3FB7]  }
0x2f: {  	lr =	sadd.s32 s0, s3;
	s0 =	sld [smem:$0x3FAE]  }
0x30: {  	s3 =	sld [smem:$0x3FB1]  }
0x31: {  	[smem:$0x3FBA] =	sst s10  }
0x32: {  	s10 =	sld [smem:$0x3FB8];
	_ =	sdelay $0x3  }
0x33: {  	p0 =	seq.s32 s10, $0x1;
	s10 =	sld [smem:$0x3FBA];
	_ =	sdelay $0x3  }
0x34: {  	[smem:$0x3FBA] =	sst s10  }
0x35: {  	s10 =	sld [smem:$0x3FB9];
	_ =	sdelay $0x3  }
0x36: {  	p1 =	seq.s32 s10, $0x1;
	s10 =	sld [smem:$0x3FBA];
	_ =	sdelay $0x3  }
0x37: {  	[smem:$0x3FBA] =	sst s10  }
0x38: {  	s10 =	sld [smem:$0x3FBB]  }
0x39: {  	_ = 	snop;
	(pc) =	sbr.ind lr, $3  }
0x3a: {  	_ = 	snop  }
0x3b: {  	_ = 	snop  }
0x3c: {  	p2 =	seq.s32 s10, $0x1;
	s10 =	sld [smem:$0x3FBA]  }
0x3d: {  	_ =	shalt  }
0x3e: {  	_ =	shalt  }
0x3f: {  	_ =	shalt  }
0x40: {  	_ =	shalt  }
0x41: {  	_ =	shalt  }
0x42: {  	_ =	shalt  }
0x43: {  	_ =	shalt  }
0x44: {  	_ =	shalt  }
0x45: {  	_ =	shalt  }
0x46: {  	_ =	shalt  }
0x47: {  	_ =	shalt  }
0x48: {  	_ =	shalt  }
0x49: {  	_ =	shalt  }
0x4a: {  	_ =	shalt  }
0x4b: {  	_ =	shalt  }
0x4c: {  	_ =	shalt  }
0x4d: {  	_ =	shalt  }
0x4e: {  	_ =	shalt  }
0x4f: {  	_ =	shalt  }
0x50: {  	_ =	shalt  }
0x51: {  	_ =	shalt  }
0x52: {  	_ =	shalt  }
0x53: {  	_ =	shalt  }
0x54: {  	_ =	shalt  }
0x55: {  	_ =	shalt  }
0x56: {  	_ =	shalt  }
0x57: {  	_ =	shalt  }
0x58: {  	_ =	shalt  }
0x59: {  	_ =	shalt  }
0x5a: {  	_ =	shalt  }
0x5b: {  	_ =	shalt  }
0x5c: {  	_ =	shalt  }
0x5d: {  	_ =	shalt  }
0x5e: {  	_ =	shalt  }
0x5f: {  	_ =	shalt  }
0x60: {  	_ =	shalt  }
0x61: {  	_ =	shalt  }
0x62: {  	_ =	shalt  }
0x63: {  	_ =	shalt  }
0x64: {  	_ =	shalt  }
0x65: {  	_ =	shalt  }
0x66: {  	_ =	shalt  }
0x67: {  	_ =	shalt  }
0x68: {  	_ =	shalt  }
0x69: {  	_ =	shalt  }
0x6a: {  	_ =	shalt  }
0x6b: {  	_ =	shalt  }
0x6c: {  	_ =	shalt  }
0x6d: {  	_ =	shalt  }
0x6e: {  	_ =	shalt  }
0x6f: {  	_ =	shalt  }
0x70: {  	_ =	shalt  }
0x71: {  	_ =	shalt  }
0x72: {  	_ =	shalt  }
0x73: {  	_ =	shalt  }
0x74: {  	_ =	shalt  }
0x75: {  	_ =	shalt  }
0x76: {  	_ =	shalt  }
0x77: {  	_ =	shalt  }
0x78: {  	_ =	shalt  }
0x79: {  	_ =	shalt  }
0x7a: {  	_ =	shalt  }
0x7b: {  	_ =	shalt  }
0x7c: {  	_ =	shalt  }
0x7d: {  	_ =	shalt  }
0x7e: {  	_ =	shalt  }
0x7f: {  	_ =	shalt  }
0x80: {  	_ =	shalt  }
0x81: {  	_ =	shalt  }
0x82: {  	_ =	shalt  }
0x83: {  	_ =	shalt  }
0x84: {  	_ =	shalt  }
0x85: {  	_ =	shalt  }
0x86: {  	_ =	shalt  }
0x87: {  	_ =	shalt  }
.Lfunc_end0:
.L_simem_size_0:
called_computation.1_lowered:
.L_overlay_start_0:
0x88: {  	s2 =	sld [smem:$0x3FD9]  }
0x89: {  	s3 =	sld [smem:$0x3FFE];
	_ =	sdelay $0x1  }
0x8a: {  	s1 =	srdreg.scid  }
0x8b: {  	s0 =	sand.u32 $0x1, s1  }
0x8c: {  	s17 =	sshll.u32 s0, $0xA;
	s2 =	sadd.s32 s3, s2  }
0x8d: {  	s2 =	sadd.s32 s2, s17  }
0x8e: {  	[smem:$0x3FC6] =	sst s2  }
0x8f: {  	_ = 	snop  }
0x90: {  	s2 =	sld [smem:$0x3FD0];
	(tm) =	ssettm $0x1  }
0x91: {  	s18 =	sld [smem:$0x3FFB];
	_ =	sdelay $0x3  }
0x92: {  	_ =	strace s18  }
0x93: {  	s3 =	sld [smem:$0x3FFC];
	_ =	sdelay $0x3  }
0x94: {  	_ =	strace s3  }
0x95: {  	s3 =	sld [smem:$0x3FFD];
	_ =	sdelay $0x3  }
0x96: {  	_ =	strace s3  }
0x97: {  	_ =	strace $0x8FFFFFFF  }
0x98: {  	s19 =	sld [smem:$0x3FDB];
	_ =	sdelay $0x1  }
0x99: {  	s4 =	simm.s32 $_scs_section_size  }
0x9a: {  	s5 =	simm.s32 $_size__tile_overlayer_lowered;
	s6 =	simm.s32 $_tile_overlayer_lowered  }
0x9b: {  	s22 =	simm.s32 $0x1BFF;
	s21 =	sshll.u32 s6, $0x1;
	s3 =	sadd.s32 s4, s19  }
0x9c: {  	s7 =	simm.s32 $0x0;
	s20 =	sshll.u32 s5, $0x1;
	s5 =	sadd.s32 s21, s3  }
0x9d: {  	[timem:s7], [sflag:s22] =	dma.local [hbm:s5], s20  }
0x9e: {  	_ =	swait.ge [sflag:s22], s20  }
0x9f: {  	s4 =	ssub.s32 $0x0, s20;
	[sflag:s22] =	ssyncset.done $0x0  }
0xa0: {  	[sflag:s22] =	ssyncadd.s32 s4;
	_ =	sdelay $0x1  }
0xa1: {  	s23 =	simm.s32 $0x1B8B  }
0xa2: {  	_ =	swait.ge [sflag:s23], $0x1  }
0xa3: {  	[sflag:s23] =	ssyncset.done $0x0  }
0xa4: {  	s25 =	simm.s32 $0x1B8E;
	s24 =	sld [smem:$0x3FFE];
	[sflag:s23] =	ssyncadd.s32 $0xFFFFFFFF  }
0xa5: {  	s26 =	simm.s32 $execute0_lowered;
	[smem:$0x3FD2] =	sst s25  }
0xa6: {  	s5 =	sshll.u32 s26, $0x1;
	_ =	strace $0x80000046;
	[dreg:$0x1] =	wrdreg $0xFFFFFFFF  }
0xa7: {  	s28 =	simm.s32 $_size_execute0_lowered;
	s3 =	sadd.s32 s3, s5;
	[dreg:$0x0] =	wrdreg $0x0  }
0xa8: {  	s5 =	sshll.u32 s28, $0x1;
	[dreg:$0x2] =	wrdreg s3  }
0xa9: {  	[dreg:$0x3] =	wrdreg s5  }
0xaa: {  	[dreg:$0x4] =	wrdreg $0xC0  }
0xab: {  	_ =	task [dreg:s7], $0x5FFFF  }
0xac: {  	[dreg:$0x1] =	wrdreg $0xFFFFFFFF  }
0xad: {  	[dreg:$0x0] =	wrdreg $0x60  }
0xae: {  	[dreg:$0x2] =	wrdreg s24  }
0xaf: {  	[dreg:$0x3] =	wrdreg s2  }
0xb0: {  	[dreg:$0x4] =	wrdreg $0x9  }
0xb1: {  	_ =	task.clear_ibuf [dreg:s7], $0x5FFFF;
	_ =	strace $0x90000046  }
0xb2: {  	s29 =	simm.s32 $0x9;
	_ =	strace $0x80000048  }
0xb3: {  	_ =	swait.ge [sflag:s29], $0x1  }
0xb4: {  	[sflag:s29] =	ssyncadd.s32 $0xFFFFFFFF  }
0xb5: {  	_ =	strace $0x90000048  }
0xb6: {  	_ =	sfence  }
0xb7: {  	s30 =	sld [smem:$0x0];
	_ =	sdelay $0x2  }
0xb8: {  	s31 =	sshll.u32 s1, $0xD;
	s1 =	sshrl.u32 s1, $0x2  }
0xb9: {  	s3 =	sand.u32 $0x4000, s31;
	s1 =	sadd.s32 s1, s30  }
0xba: {  	s0 =	sor.u32 s3, s0;
	s1 =	sshll.u32 s1, $0x11  }
0xbb: {  	s0 =	sor.u32 s1, s0  }
0xbc: {  	s0 =	sadd.s32 $0x8F2B, s0  }
0xbd: {  	[sflag:s0] =	ssyncadd.remote.s32 $0x1  }
0xbe: {  	_ =	sfence.sel $0xFFFF  }
0xbf: {  	[dreg:$0x0] =	wrdreg $0xFFFFFFFF;
	(pc) =	sbr.abs _section_cstart, $3  }
0xc0: {  	[dreg:$0x1] =	wrdreg $0xFFFFFFFF  }
0xc1: {  	_ =	task.clear_ibuf [dreg:s7], $0x2FFFF;
	_ =	strace $0x9FFFFFFF  }
0xc2: {  	(tm) =	ssettm $0x7FFFFFFF  }
0xc3: {  	_ =	shalt  }
tec
execute0_lowered:
.L_overlay_start_1:
0x0: {  	(tag) =	ssettag $0x1  }
0x1: {  	s0 =	srdreg.scid;
	s6 =	rddreg [dreg:$0x0]  }
0x2: {  	s1 =	stileid.u32;
	s2 =	rddreg [dreg:$0x1];
	s4 =	simm.s32 $0x0  }
0x3: {  	s16 =	simm.s32 $0xBD00;
	s15 =	simm.s32 $0x80;
	s17 =	simm.s32 $0x2  }
0x4: {  	s19 =	simm.s32 $0x3;
	s0 =	sand.u32 $0x1, s0;
	s1 =	sshll.u32 s1, $0x1  }
0x5: {  	s20 =	simm.s32 $0x4;
	s1 =	sor.u32 s0, s1;
	s0 =	ssub.s32 $0x2, s0  }
0x6: {  	[smem:$0x7FF] =	sst s4;
	s3 =	smul.u32 $0x1900, s1;
	s7 =	sshrl.u32 s0, $0x1  }
.Ltmp0:
0x7: {  	s5 =	sadd.s32 $0xF43000, s6;
	s0 =	ssub.s32 s0, s7;
	(pc) =	sbr.rel .LBB2_1-.Ltmp0, $4  }
0x8: {  	_ =	strace $0x80000047;
	s1 =	sshrl.u32 s3, $0x3;
	s0 =	smax.u32 s0, $0x1  }
0x9: {  	s1 =	sadd.s32 s1, s6;
	s6 =	sadd.s32 $0x7000, s6;
	[dreg:$0x5] =	wrdreg s0  }
0xa: {  	s21 =	simm.s32 $0x5;
	[dreg:$0x3] =	wrdreg s6;
	s1 =	sadd.s32 $0xC00, s1  }
0xb: {  	s24 =	simm.s32 $0x8;
	s6 =	simm.s32 $0x0;
	[dreg:$0x4] =	wrdreg s1  }
.LBB2_14:
0xc: {  	s0 =	simm.s32 $0x6  }
0xd: {  	_ =	swait.ge [sflag:s0], $0x2000  }
0xe: {  	[sflag:s0] =	ssyncset.done $0x0  }
0xf: {  	s29 =	simm.s32 $0x7;
	[sflag:s0] =	ssyncadd.s32 $0xFFFFE000  }
0x10: {  	_ =	swait.ge [sflag:s29], $0x2000  }
0x11: {  	[sflag:s29] =	ssyncset.done $0x0  }
0x12: {  	[sflag:s29] =	ssyncadd.s32 $0xFFFFE000  }
0x13: {  	_ =	swait.ge [sflag:s24], $0x2000  }
0x14: {  	[sflag:s24] =	ssyncset.done $0x0  }
0x15: {  	s30 =	simm.s32 $0x9;
	[sflag:s24] =	ssyncadd.s32 $0xFFFFE000  }
0x16: {  	_ =	swait.ge [sflag:s30], $0x2000  }
0x17: {  	[sflag:s30] =	ssyncset.done $0x0  }
0x18: {  	s1 =	simm.s32 $0xA;
	[sflag:s30] =	ssyncadd.s32 $0xFFFFE000  }
0x19: {  	_ =	swait.ge [sflag:s1], $0x2000  }
0x1a: {  	s6 =	rddreg [dreg:$0x6]  }
0x1b: {  	s31 =	rddreg [dreg:$0x5];
	s6 =	sadd.s32 $0x1, s6  }
0x1c: {  	p0 =	sne.s32 s6, s31  }
.Ltmp1:
0x1d: {  	_ = 	snop;
	(pc) =	sbr.rel @!p0 .LBB2_15-.Ltmp1, $3  }
0x1e: {  	_ =	sdelay $0x1  }
0x1f: {  	[sflag:s1] =	ssyncset.done $0x0  }
0x20: {  	[sflag:s1] =	ssyncadd.s32 $0xFFFFE000  }
.LBB2_1:
0x21: {  	[dreg:$0x6] =	wrdreg s6  }
0x22: {  	s0 =	rddreg [dreg:$0x4];
	s1 =	simm.s32 $0xB  }
0x23: {  	[tilespmem:s4], [sflag:$0xB] =	stream.linear.gather [hbm4b:s0+s4], $0x1900, $0x38;
	[tilespmem:$0x11D00] =	vst v63  }
0x24: {  	_ =	swait.ge [sflag:s1], $0x1900  }
0x25: {  	s25 =	simm.s32 $0x1900;
	[sflag:s1] =	ssyncset.done $0x0  }
0x26: {  	s26 =	simm.s32 $0x7D00;
	s23 =	rddreg [dreg:$0x3];
	[sflag:s1] =	ssyncadd.s32 $0xFFFFE700  }
0x27: {  	[tilespmem:s25], [sflag:$0xB] =	stream.linear.gather [hbm4b:s23+s4], $0x6400, $0x38;
	[tilespmem:$0x11D00] =	vst v63  }
0x28: {  	s28 =	simm.s32 $0x9D00;
	s29 =	simm.s32 $0x100;
	_ =	swait.ge [sflag:s1], $0x6400  }
0x29: {  	s30 =	simm.s32 $0x1A00;
	s31 =	simm.s32 $0x3900;
	[sflag:s1] =	ssyncset.done $0x0  }
0x2a: {  	s10 =	simm.s32 $0x180;
	s6 =	simm.s32 $0x9900;
	[sflag:s1] =	ssyncadd.s32 $0xFFFF9C00  }
0x2b: {  	[tilespmem:s26], [sflag:$0x1] =	stream.indirect.gather [hbm4b:s5+s15], $0x40, s4, s15, $0xb8;
	[tilespmem:$0x11D00] =	vst v63  }
0x2c: {  	s7 =	simm.s32 $0x200;
	s8 =	simm.s32 $0x80;
	s22 =	simm.s32 $0x0  }
0x2d: {  	[tilespmem:s28], [sflag:$0x2] =	stream.indirect.gather [hbm4b:s5+s15], $0x40, s15, s15, $0xb8;
	[tilespmem:$0x11D00] =	vst v63  }
0x2e: {  	s0 =	simm.s32 $0x7900;
	s23 =	simm.s32 $0x0;
	s1 =	simm.s32 $0x5900  }
0x2f: {  	[tilespmem:s16], [sflag:$0x3] =	stream.indirect.gather [hbm4b:s5+s15], $0x40, s29, s15, $0xb8;
	[tilespmem:$0x11D00] =	vst v63  }
.LBB2_2:
0x30: {  	s9 =	smulhi.u32 $0x51EB851F, s22;
	_ =	sdelay $0x1  }
0x31: {  	s9 =	sshrl.u32 s9, $0x6  }
0x32: {  	s9 =	smul.u32 $0xFFFF3800, s9;
	_ =	sdelay $0x1  }
0x33: {  	s9 =	sshra.s32 s9, $0x2  }
0x34: {  	s9 =	sadd.s32 s9, s30  }
0x35: {  	v0 =	vmov s9  }
0x36: {  	s14 =	simm.s32 $0x1  }
0x37: {  	_ =	swait.ge [sflag:s14], $0x2000  }
0x38: {  	[sflag:s14] =	ssyncset.done $0x0  }
0x39: {  	[sflag:s14] =	ssyncadd.s32 $0xFFFFE000;
	s9 =	simm.s32 $0x0  }
0x3a: {  	v1 =	vld.idx.msk [tilespmem:v0+s9+$0xC0 ss:$0x1], $0xffff  }
0x3b: {  	v2 =	vld.idx.msk [tilespmem:v0+s9+$0xFFFFFF00 ss:$0x1], $0xffff  }
0x3c: {  	v3 =	vld.idx.msk [tilespmem:v0+s9+$0xFFFFFF40 ss:$0x1], $0xffff  }
0x3d: {  	v4 =	vld.idx.msk [tilespmem:v0+s9+$0xFFFFFF80 ss:$0x1], $0xffff  }
0x3e: {  	v5 =	vld.idx.msk [tilespmem:v0+s9+$0xFFFFFFC0 ss:$0x1], $0xffff  }
0x3f: {  	v6 =	vld.idx.msk [tilespmem:v0+s9+$0x0 ss:$0x1], $0xffff  }
0x40: {  	v7 =	vld.idx.msk [tilespmem:v0+s9+$0x40 ss:$0x1], $0xffff  }
0x41: {  	v8 =	vld.idx.msk [tilespmem:v0+s9+$0x80 ss:$0x1], $0xffff  }
0x42: {  	[tilespmem:s9+$0x7EC0] =	vst.add.f32.msk $0xffff, v1  }
0x43: {  	[tilespmem:s9+$0x7D00] =	vst.add.f32.msk $0xffff, v2  }
0x44: {  	[tilespmem:s9+$0x7D40] =	vst.add.f32.msk $0xffff, v3  }
0x45: {  	[tilespmem:s9+$0x7D80] =	vst.add.f32.msk $0xffff, v4  }
0x46: {  	[tilespmem:s9+$0x7DC0] =	vst.add.f32.msk $0xffff, v5  }
0x47: {  	[tilespmem:s9+$0x7E00] =	vst.add.f32.msk $0xffff, v6  }
0x48: {  	[tilespmem:s9+$0x7E40] =	vst.add.f32.msk $0xffff, v7  }
0x49: {  	[tilespmem:s9+$0x7E80] =	vst.add.f32.msk $0xffff, v8  }
0x4a: {  	v1 =	vld.idx.msk [tilespmem:v0+s9+$0xD0 ss:$0x1], $0xffff  }
0x4b: {  	v2 =	vld.idx.msk [tilespmem:v0+s9+$0xFFFFFF10 ss:$0x1], $0xffff  }
0x4c: {  	v3 =	vld.idx.msk [tilespmem:v0+s9+$0xFFFFFF50 ss:$0x1], $0xffff  }
0x4d: {  	v4 =	vld.idx.msk [tilespmem:v0+s9+$0xFFFFFF90 ss:$0x1], $0xffff  }
0x4e: {  	v5 =	vld.idx.msk [tilespmem:v0+s9+$0xFFFFFFD0 ss:$0x1], $0xffff  }
0x4f: {  	v6 =	vld.idx.msk [tilespmem:v0+s9+$0x10 ss:$0x1], $0xffff  }
0x50: {  	v7 =	vld.idx.msk [tilespmem:v0+s9+$0x50 ss:$0x1], $0xffff  }
0x51: {  	[tilespmem:s9+$0x7ED0] =	vst.add.f32.msk $0xffff, v1  }
0x52: {  	[tilespmem:s9+$0x7D10] =	vst.add.f32.msk $0xffff, v2  }
0x53: {  	[tilespmem:s9+$0x7D50] =	vst.add.f32.msk $0xffff, v3  }
0x54: {  	[tilespmem:s9+$0x7D90] =	vst.add.f32.msk $0xffff, v4  }
0x55: {  	[tilespmem:s9+$0x7DD0] =	vst.add.f32.msk $0xffff, v5  }
0x56: {  	[tilespmem:s9+$0x7E10] =	vst.add.f32.msk $0xffff, v6  }
0x57: {  	[tilespmem:s9+$0x7E50] =	vst.add.f32.msk $0xffff, v7  }
0x58: {  	v1 =	vld.idx.msk [tilespmem:v0+s9+$0xE0 ss:$0x1], $0xffff  }
0x59: {  	v2 =	vld.idx.msk [tilespmem:v0+s9+$0xFFFFFF60 ss:$0x1], $0xffff  }
0x5a: {  	v3 =	vld.idx.msk [tilespmem:v0+s9+$0xFFFFFFA0 ss:$0x1], $0xffff  }
0x5b: {  	v56 =	vld.idx.msk [tilespmem:v0+s9+$0xFFFFFFE0 ss:$0x1], $0xffff  }
0x5c: {  	v57 =	vld.idx.msk [tilespmem:v0+s9+$0x20 ss:$0x1], $0xffff  }
0x5d: {  	v58 =	vld.idx.msk [tilespmem:v0+s9+$0x60 ss:$0x1], $0xffff  }
0x5e: {  	[tilespmem:s9+$0x7EE0] =	vst.add.f32.msk $0xffff, v1  }
0x5f: {  	[tilespmem:s9+$0x7D60] =	vst.add.f32.msk $0xffff, v2  }
0x60: {  	v1 =	vld.idx.msk [tilespmem:v0+s9+$0xF0 ss:$0x1], $0xffff  }
0x61: {  	[tilespmem:s9+$0x7DA0] =	vst.add.f32.msk $0xffff, v3  }
0x62: {  	[tilespmem:s9+$0x7DE0] =	vst.add.f32.msk $0xffff, v56  }
0x63: {  	[tilespmem:s9+$0x7E20] =	vst.add.f32.msk $0xffff, v57  }
0x64: {  	[tilespmem:s9+$0x7E60] =	vst.add.f32.msk $0xffff, v58  }
0x65: {  	[tilespmem:s9+$0x7EF0] =	vst.add.f32.msk $0xffff, v1  }
0x66: {  	v1 =	vld.idx.msk [tilespmem:v0+s9+$0x90 ss:$0x1], $0xffff  }
0x67: {  	v3 =	vld.idx.msk [tilespmem:v0+s9+$0xFFFFFF70 ss:$0x1], $0xffff  }
0x68: {  	v60 =	vld.idx.msk [tilespmem:v0+s9+$0xFFFFFFB0 ss:$0x1], $0xffff  }
0x69: {  	v61 =	vld.idx.msk [tilespmem:v0+s9+$0xFFFFFFF0 ss:$0x1], $0xffff  }
0x6a: {  	v62 =	vld.idx.msk [tilespmem:v0+s9+$0x30 ss:$0x1], $0xffff  }
0x6b: {  	[tilespmem:s9+$0x7E90] =	vst.add.f32.msk $0xffff, v1  }
0x6c: {  	v1 =	vld.idx.msk [tilespmem:v0+s9+$0xFFFFFF20 ss:$0x1], $0xffff  }
0x6d: {  	v59 =	vld.idx.msk [tilespmem:v0+s9+$0xA0 ss:$0x1], $0xffff  }
0x6e: {  	s11 =	smulhi.u32 $0x51EB851F, s7;
	v63 =	vld.idx.msk [tilespmem:v0+s9+$0x70 ss:$0x1], $0xffff  }
0x6f: {  	s12 =	smulhi.u32 $0x51EB851F, s10;
	[tilespmem:s9+$0x7D70] =	vst.add.f32.msk $0xffff, v3  }
0x70: {  	s13 =	smulhi.u32 $0x51EB851F, s29;
	s11 =	sshrl.u32 s11, $0x6;
	[tilespmem:s9+$0x7DB0] =	vst.add.f32.msk $0xffff, v60  }
0x71: {  	s11 =	smul.u32 $0xFFFF3800, s11;
	[tilespmem:s9+$0x7D20] =	vst.add.f32.msk $0xffff, v1  }
0x72: {  	s12 =	sshrl.u32 s12, $0x6;
	s14 =	smulhi.u32 $0x51EB851F, s8;
	[tilespmem:s9+$0x7EA0] =	vst.add.f32.msk $0xffff, v59  }
0x73: {  	s13 =	sshrl.u32 s13, $0x6;
	s12 =	smul.u32 $0xFFFF3800, s12;
	v2 =	vld.idx.msk [tilespmem:v0+s9+$0xFFFFFF30 ss:$0x1], $0xffff  }
0x74: {  	s13 =	smul.u32 $0xFFFF3800, s13;
	s14 =	sshrl.u32 s14, $0x6;
	v1 =	vld.idx.msk [tilespmem:v0+s9+$0xB0 ss:$0x1], $0xffff  }
0x75: {  	s11 =	sshra.s32 s11, $0x2;
	s16 =	sshra.s32 s12, $0x2;
	s14 =	smul.u32 $0xFFFF3800, s14;
	[tilespmem:s9+$0x7DF0] =	vst.add.f32.msk $0xffff, v61  }
0x76: {  	s18 =	sshra.s32 s13, $0x2;
	s25 =	sadd.s32 s11, s6;
	s28 =	sadd.s32 s16, s0;
	[tilespmem:s9+$0x7E30] =	vst.add.f32.msk $0xffff, v62  }
0x77: {  	s12 =	sadd.s32 s18, s1;
	s11 =	smul.u32 $0x280, s23;
	s26 =	sshra.s32 s14, $0x2;
	[tilespmem:s9+$0x7E70] =	vst.add.f32.msk $0xffff, v63  }
0x78: {  	s16 =	simm.s32 $0x0;
	s18 =	simm.s32 $0x800;
	s13 =	sadd.s32 s26, s31;
	[tilespmem:s9+$0x7D30] =	vst.add.f32.msk $0xffff, v2  }
.LBB2_3:
0x79: {  	s16 =	sadd.s32 $0x8, s16;
	[tilespmem:s9+$0x7EB0] =	vst.add.f32.msk $0xffff, v1;
	s9 =	sshra.s32 s18, $0x2  }
0x7a: {  	v1 =	vld.idx.msk [tilespmem:v0+s9+$0xC0 ss:$0x1], $0xffff;
	p0 =	slt.u32 s16, $0x78  }
0x7b: {  	v2 =	vld.idx.msk [tilespmem:v0+s9+$0xFFFFFF00 ss:$0x1], $0xffff  }
0x7c: {  	v3 =	vld.idx.msk [tilespmem:v0+s9+$0xFFFFFF40 ss:$0x1], $0xffff  }
0x7d: {  	v4 =	vld.idx.msk [tilespmem:v0+s9+$0xFFFFFF80 ss:$0x1], $0xffff  }
0x7e: {  	v5 =	vld.idx.msk [tilespmem:v0+s9+$0xFFFFFFC0 ss:$0x1], $0xffff  }
0x7f: {  	v6 =	vld.idx.msk [tilespmem:v0+s9+$0x0 ss:$0x1], $0xffff  }
0x80: {  	[tilespmem:s9+$0x7EC0] =	vst.add.f32.msk $0xffff, v1  }
0x81: {  	v1 =	vld.idx.msk [tilespmem:v0+s9+$0xD0 ss:$0x1], $0xffff  }
0x82: {  	v7 =	vld.idx.msk [tilespmem:v0+s9+$0x40 ss:$0x1], $0xffff  }
0x83: {  	v8 =	vld.idx.msk [tilespmem:v0+s9+$0x80 ss:$0x1], $0xffff  }
0x84: {  	[tilespmem:s9+$0x7D00] =	vst.add.f32.msk $0xffff, v2  }
0x85: {  	[tilespmem:s9+$0x7D40] =	vst.add.f32.msk $0xffff, v3  }
0x86: {  	[tilespmem:s9+$0x7D80] =	vst.add.f32.msk $0xffff, v4  }
0x87: {  	[tilespmem:s9+$0x7ED0] =	vst.add.f32.msk $0xffff, v1  }
0x88: {  	v1 =	vld.idx.msk [tilespmem:v0+s9+$0xE0 ss:$0x1], $0xffff  }
0x89: {  	[tilespmem:s9+$0x7DC0] =	vst.add.f32.msk $0xffff, v5  }
0x8a: {  	[tilespmem:s9+$0x7E00] =	vst.add.f32.msk $0xffff, v6  }
0x8b: {  	[tilespmem:s9+$0x7E40] =	vst.add.f32.msk $0xffff, v7  }
0x8c: {  	[tilespmem:s9+$0x7E80] =	vst.add.f32.msk $0xffff, v8  }
0x8d: {  	v2 =	vld.idx.msk [tilespmem:v0+s9+$0xFFFFFF10 ss:$0x1], $0xffff  }
0x8e: {  	[tilespmem:s9+$0x7EE0] =	vst.add.f32.msk $0xffff, v1  }
0x8f: {  	v1 =	vld.idx.msk [tilespmem:v0+s9+$0xF0 ss:$0x1], $0xffff  }
0x90: {  	v3 =	vld.idx.msk [tilespmem:v0+s9+$0xFFFFFF50 ss:$0x1], $0xffff  }
0x91: {  	v4 =	vld.idx.msk [tilespmem:v0+s9+$0xFFFFFF90 ss:$0x1], $0xffff  }
0x92: {  	v5 =	vld.idx.msk [tilespmem:v0+s9+$0xFFFFFFD0 ss:$0x1], $0xffff  }
0x93: {  	v6 =	vld.idx.msk [tilespmem:v0+s9+$0x10 ss:$0x1], $0xffff  }
0x94: {  	v7 =	vld.idx.msk [tilespmem:v0+s9+$0x50 ss:$0x1], $0xffff  }
0x95: {  	[tilespmem:s9+$0x7EF0] =	vst.add.f32.msk $0xffff, v1  }
0x96: {  	v1 =	vld.idx.msk [tilespmem:v0+s9+$0x90 ss:$0x1], $0xffff  }
0x97: {  	[tilespmem:s9+$0x7D10] =	vst.add.f32.msk $0xffff, v2  }
0x98: {  	[tilespmem:s9+$0x7D50] =	vst.add.f32.msk $0xffff, v3  }
0x99: {  	[tilespmem:s9+$0x7D90] =	vst.add.f32.msk $0xffff, v4  }
0x9a: {  	[tilespmem:s9+$0x7DD0] =	vst.add.f32.msk $0xffff, v5  }
0x9b: {  	[tilespmem:s9+$0x7E10] =	vst.add.f32.msk $0xffff, v6  }
0x9c: {  	[tilespmem:s9+$0x7E50] =	vst.add.f32.msk $0xffff, v7  }
0x9d: {  	[tilespmem:s9+$0x7E90] =	vst.add.f32.msk $0xffff, v1  }
0x9e: {  	v1 =	vld.idx.msk [tilespmem:v0+s9+$0xFFFFFF20 ss:$0x1], $0xffff  }
0x9f: {  	v2 =	vld.idx.msk [tilespmem:v0+s9+$0xFFFFFF60 ss:$0x1], $0xffff  }
0xa0: {  	v3 =	vld.idx.msk [tilespmem:v0+s9+$0xFFFFFFA0 ss:$0x1], $0xffff  }
0xa1: {  	v4 =	vld.idx.msk [tilespmem:v0+s9+$0xFFFFFFE0 ss:$0x1], $0xffff  }
0xa2: {  	v5 =	vld.idx.msk [tilespmem:v0+s9+$0x20 ss:$0x1], $0xffff  }
0xa3: {  	v6 =	vld.idx.msk [tilespmem:v0+s9+$0x60 ss:$0x1], $0xffff  }
0xa4: {  	v7 =	vld.idx.msk [tilespmem:v0+s9+$0xA0 ss:$0x1], $0xffff  }
0xa5: {  	[tilespmem:s9+$0x7D20] =	vst.add.f32.msk $0xffff, v1  }
0xa6: {  	[tilespmem:s9+$0x7D60] =	vst.add.f32.msk $0xffff, v2  }
0xa7: {  	[tilespmem:s9+$0x7DA0] =	vst.add.f32.msk $0xffff, v3  }
0xa8: {  	[tilespmem:s9+$0x7DE0] =	vst.add.f32.msk $0xffff, v4  }
0xa9: {  	[tilespmem:s9+$0x7E20] =	vst.add.f32.msk $0xffff, v5  }
0xaa: {  	[tilespmem:s9+$0x7E60] =	vst.add.f32.msk $0xffff, v6  }
0xab: {  	[tilespmem:s9+$0x7EA0] =	vst.add.f32.msk $0xffff, v7  }
0xac: {  	v2 =	vld.idx.msk [tilespmem:v0+s9+$0xFFFFFF30 ss:$0x1], $0xffff  }
0xad: {  	v3 =	vld.idx.msk [tilespmem:v0+s9+$0xFFFFFF70 ss:$0x1], $0xffff  }
0xae: {  	v4 =	vld.idx.msk [tilespmem:v0+s9+$0xFFFFFFB0 ss:$0x1], $0xffff  }
0xaf: {  	v5 =	vld.idx.msk [tilespmem:v0+s9+$0xFFFFFFF0 ss:$0x1], $0xffff  }
0xb0: {  	v6 =	vld.idx.msk [tilespmem:v0+s9+$0x30 ss:$0x1], $0xffff  }
0xb1: {  	v7 =	vld.idx.msk [tilespmem:v0+s9+$0x70 ss:$0x1], $0xffff  }
0xb2: {  	v1 =	vld.idx.msk [tilespmem:v0+s9+$0xB0 ss:$0x1], $0xffff  }
0xb3: {  	[tilespmem:s9+$0x7D30] =	vst.add.f32.msk $0xffff, v2  }
.Ltmp2:
0xb4: {  	[tilespmem:s9+$0x7D70] =	vst.add.f32.msk $0xffff, v3;
	(pc) =	sbr.rel @p0 .LBB2_3-.Ltmp2, $4  }
0xb5: {  	[tilespmem:s9+$0x7DB0] =	vst.add.f32.msk $0xffff, v4  }
0xb6: {  	[tilespmem:s9+$0x7DF0] =	vst.add.f32.msk $0xffff, v5  }
0xb7: {  	[tilespmem:s9+$0x7E30] =	vst.add.f32.msk $0xffff, v6  }
0xb8: {  	s18 =	sadd.s32 $0x800, s18;
	[tilespmem:s9+$0x7E70] =	vst.add.f32.msk $0xffff, v7  }
0xb9: {  	s14 =	sadd.s32 s3, s11;
	[tilespmem:s9+$0x7EB0] =	vst.add.f32.msk $0xffff, v1;
	s9 =	smul.u32 $0x5, s23  }
0xba: {  	s14 =	sshll.u32 s14, $0x3  }
0xbb: {  	s16 =	simm.s32 $0x7D00;
	s14 =	sadd.s32 s2, s14;
	s18 =	sadd.s32 $0xFFFFFFFE, s9  }
0xbc: {  	[hbm4b:s14+s4] =	stream.linear.scatter [tilespmem:s16], [sflag:$0x6], $0x2000, $0x38;
	[tilespmem:$0x11D00] =	vst v63  }
0xbd: {  	p0 =	sgt.u32 s18, $0x2C  }
0xbe: {  	s14 =	simm.s32 @!p0 $0x9  }
0xbf: {  	s26 =	sadd.s32 $0x3, s9;
	_ =	swait.ge @!p0 [sflag:s14], $0x2000  }
0xc0: {  	s26 =	sshll.u32 s26, $0x7;
	[sflag:s14] =	ssyncset.done @!p0 $0x0  }
0xc1: {  	v0 =	vmov s13;
	s18 =	simm.s32 $0xDD00;
	s16 =	sand.u32 $0x3FFFFF80, s26;
	[sflag:s14] =	ssyncadd.s32 @!p0 $0xFFFFE000  }
0xc2: {  	[tilespmem:s18], [sflag:$0x4] =	stream.indirect.gather [hbm4b:s5+s15], $0x40, s16, s15, $0xb8;
	[tilespmem:$0x11D00] =	vst v63  }
0xc3: {  	_ =	swait.ge [sflag:s17], $0x2000  }
0xc4: {  	[sflag:s17] =	ssyncset.done $0x0  }
0xc5: {  	s13 =	simm.s32 $0x0;
	[sflag:s17] =	ssyncadd.s32 $0xFFFFE000  }
0xc6: {  	v1 =	vld.idx.msk [tilespmem:v0+s13+$0x1C0 ss:$0x1], $0xffff  }
0xc7: {  	v2 =	vld.idx.msk [tilespmem:v0+s13+$0x0 ss:$0x1], $0xffff  }
0xc8: {  	v3 =	vld.idx.msk [tilespmem:v0+s13+$0x40 ss:$0x1], $0xffff  }
0xc9: {  	v4 =	vld.idx.msk [tilespmem:v0+s13+$0x80 ss:$0x1], $0xffff  }
0xca: {  	v5 =	vld.idx.msk [tilespmem:v0+s13+$0xC0 ss:$0x1], $0xffff  }
0xcb: {  	v6 =	vld.idx.msk [tilespmem:v0+s13+$0x100 ss:$0x1], $0xffff  }
0xcc: {  	v7 =	vld.idx.msk [tilespmem:v0+s13+$0x140 ss:$0x1], $0xffff  }
0xcd: {  	v8 =	vld.idx.msk [tilespmem:v0+s13+$0x180 ss:$0x1], $0xffff  }
0xce: {  	[tilespmem:s13+$0x9EC0] =	vst.add.f32.msk $0xffff, v1  }
0xcf: {  	[tilespmem:s13+$0x9D00] =	vst.add.f32.msk $0xffff, v2  }
0xd0: {  	[tilespmem:s13+$0x9D40] =	vst.add.f32.msk $0xffff, v3  }
0xd1: {  	[tilespmem:s13+$0x9D80] =	vst.add.f32.msk $0xffff, v4  }
0xd2: {  	[tilespmem:s13+$0x9DC0] =	vst.add.f32.msk $0xffff, v5  }
0xd3: {  	[tilespmem:s13+$0x9E00] =	vst.add.f32.msk $0xffff, v6  }
0xd4: {  	[tilespmem:s13+$0x9E40] =	vst.add.f32.msk $0xffff, v7  }
0xd5: {  	[tilespmem:s13+$0x9E80] =	vst.add.f32.msk $0xffff, v8  }
0xd6: {  	v1 =	vld.idx.msk [tilespmem:v0+s13+$0x1D0 ss:$0x1], $0xffff  }
0xd7: {  	v2 =	vld.idx.msk [tilespmem:v0+s13+$0x10 ss:$0x1], $0xffff  }
0xd8: {  	v3 =	vld.idx.msk [tilespmem:v0+s13+$0x50 ss:$0x1], $0xffff  }
0xd9: {  	v4 =	vld.idx.msk [tilespmem:v0+s13+$0x90 ss:$0x1], $0xffff  }
0xda: {  	v5 =	vld.idx.msk [tilespmem:v0+s13+$0xD0 ss:$0x1], $0xffff  }
0xdb: {  	v6 =	vld.idx.msk [tilespmem:v0+s13+$0x110 ss:$0x1], $0xffff  }
0xdc: {  	v7 =	vld.idx.msk [tilespmem:v0+s13+$0x150 ss:$0x1], $0xffff  }
0xdd: {  	[tilespmem:s13+$0x9ED0] =	vst.add.f32.msk $0xffff, v1  }
0xde: {  	[tilespmem:s13+$0x9D10] =	vst.add.f32.msk $0xffff, v2  }
0xdf: {  	[tilespmem:s13+$0x9D50] =	vst.add.f32.msk $0xffff, v3  }
0xe0: {  	[tilespmem:s13+$0x9D90] =	vst.add.f32.msk $0xffff, v4  }
0xe1: {  	[tilespmem:s13+$0x9DD0] =	vst.add.f32.msk $0xffff, v5  }
0xe2: {  	[tilespmem:s13+$0x9E10] =	vst.add.f32.msk $0xffff, v6  }
0xe3: {  	[tilespmem:s13+$0x9E50] =	vst.add.f32.msk $0xffff, v7  }
0xe4: {  	v1 =	vld.idx.msk [tilespmem:v0+s13+$0x1E0 ss:$0x1], $0xffff  }
0xe5: {  	v2 =	vld.idx.msk [tilespmem:v0+s13+$0x60 ss:$0x1], $0xffff  }
0xe6: {  	v3 =	vld.idx.msk [tilespmem:v0+s13+$0xA0 ss:$0x1], $0xffff  }
0xe7: {  	v56 =	vld.idx.msk [tilespmem:v0+s13+$0xE0 ss:$0x1], $0xffff  }
0xe8: {  	v57 =	vld.idx.msk [tilespmem:v0+s13+$0x120 ss:$0x1], $0xffff  }
0xe9: {  	v58 =	vld.idx.msk [tilespmem:v0+s13+$0x160 ss:$0x1], $0xffff  }
0xea: {  	[tilespmem:s13+$0x9EE0] =	vst.add.f32.msk $0xffff, v1  }
0xeb: {  	[tilespmem:s13+$0x9D60] =	vst.add.f32.msk $0xffff, v2  }
0xec: {  	v1 =	vld.idx.msk [tilespmem:v0+s13+$0x1F0 ss:$0x1], $0xffff  }
0xed: {  	[tilespmem:s13+$0x9DA0] =	vst.add.f32.msk $0xffff, v3  }
0xee: {  	[tilespmem:s13+$0x9DE0] =	vst.add.f32.msk $0xffff, v56  }
0xef: {  	[tilespmem:s13+$0x9E20] =	vst.add.f32.msk $0xffff, v57  }
0xf0: {  	[tilespmem:s13+$0x9E60] =	vst.add.f32.msk $0xffff, v58  }
0xf1: {  	[tilespmem:s13+$0x9EF0] =	vst.add.f32.msk $0xffff, v1  }
0xf2: {  	v1 =	vld.idx.msk [tilespmem:v0+s13+$0x190 ss:$0x1], $0xffff  }
0xf3: {  	v3 =	vld.idx.msk [tilespmem:v0+s13+$0x70 ss:$0x1], $0xffff  }
0xf4: {  	v60 =	vld.idx.msk [tilespmem:v0+s13+$0xB0 ss:$0x1], $0xffff  }
0xf5: {  	v61 =	vld.idx.msk [tilespmem:v0+s13+$0xF0 ss:$0x1], $0xffff  }
0xf6: {  	v62 =	vld.idx.msk [tilespmem:v0+s13+$0x130 ss:$0x1], $0xffff  }
0xf7: {  	[tilespmem:s13+$0x9E90] =	vst.add.f32.msk $0xffff, v1  }
0xf8: {  	v1 =	vld.idx.msk [tilespmem:v0+s13+$0x20 ss:$0x1], $0xffff  }
0xf9: {  	v59 =	vld.idx.msk [tilespmem:v0+s13+$0x1A0 ss:$0x1], $0xffff  }
0xfa: {  	v63 =	vld.idx.msk [tilespmem:v0+s13+$0x170 ss:$0x1], $0xffff  }
0xfb: {  	[tilespmem:s13+$0x9D70] =	vst.add.f32.msk $0xffff, v3  }
0xfc: {  	[tilespmem:s13+$0x9DB0] =	vst.add.f32.msk $0xffff, v60  }
0xfd: {  	[tilespmem:s13+$0x9D20] =	vst.add.f32.msk $0xffff, v1  }
0xfe: {  	[tilespmem:s13+$0x9EA0] =	vst.add.f32.msk $0xffff, v59  }
0xff: {  	v2 =	vld.idx.msk [tilespmem:v0+s13+$0x30 ss:$0x1], $0xffff  }
0x100: {  	v1 =	vld.idx.msk [tilespmem:v0+s13+$0x1B0 ss:$0x1], $0xffff  }
0x101: {  	[tilespmem:s13+$0x9DF0] =	vst.add.f32.msk $0xffff, v61  }
0x102: {  	[tilespmem:s13+$0x9E30] =	vst.add.f32.msk $0xffff, v62  }
0x103: {  	[tilespmem:s13+$0x9E70] =	vst.add.f32.msk $0xffff, v63  }
0x104: {  	s14 =	simm.s32 $0x800;
	s16 =	sadd.s32 $0x80, s11;
	s18 =	simm.s32 $0x0;
	[tilespmem:s13+$0x9D30] =	vst.add.f32.msk $0xffff, v2  }
.LBB2_5:
0x105: {  	s18 =	sadd.s32 $0x8, s18;
	[tilespmem:s13+$0x9EB0] =	vst.add.f32.msk $0xffff, v1;
	s13 =	sshra.s32 s14, $0x2  }
0x106: {  	v1 =	vld.idx.msk [tilespmem:v0+s13+$0x1C0 ss:$0x1], $0xffff;
	p0 =	slt.u32 s18, $0x78  }
0x107: {  	v2 =	vld.idx.msk [tilespmem:v0+s13+$0x0 ss:$0x1], $0xffff  }
0x108: {  	v3 =	vld.idx.msk [tilespmem:v0+s13+$0x40 ss:$0x1], $0xffff  }
0x109: {  	v4 =	vld.idx.msk [tilespmem:v0+s13+$0x80 ss:$0x1], $0xffff  }
0x10a: {  	v5 =	vld.idx.msk [tilespmem:v0+s13+$0xC0 ss:$0x1], $0xffff  }
0x10b: {  	v6 =	vld.idx.msk [tilespmem:v0+s13+$0x100 ss:$0x1], $0xffff  }
0x10c: {  	[tilespmem:s13+$0x9EC0] =	vst.add.f32.msk $0xffff, v1  }
0x10d: {  	v1 =	vld.idx.msk [tilespmem:v0+s13+$0x1D0 ss:$0x1], $0xffff  }
0x10e: {  	v7 =	vld.idx.msk [tilespmem:v0+s13+$0x140 ss:$0x1], $0xffff  }
0x10f: {  	v8 =	vld.idx.msk [tilespmem:v0+s13+$0x180 ss:$0x1], $0xffff  }
0x110: {  	[tilespmem:s13+$0x9D00] =	vst.add.f32.msk $0xffff, v2  }
0x111: {  	[tilespmem:s13+$0x9D40] =	vst.add.f32.msk $0xffff, v3  }
0x112: {  	[tilespmem:s13+$0x9D80] =	vst.add.f32.msk $0xffff, v4  }
0x113: {  	[tilespmem:s13+$0x9ED0] =	vst.add.f32.msk $0xffff, v1  }
0x114: {  	v1 =	vld.idx.msk [tilespmem:v0+s13+$0x1E0 ss:$0x1], $0xffff  }
0x115: {  	[tilespmem:s13+$0x9DC0] =	vst.add.f32.msk $0xffff, v5  }
0x116: {  	[tilespmem:s13+$0x9E00] =	vst.add.f32.msk $0xffff, v6  }
0x117: {  	[tilespmem:s13+$0x9E40] =	vst.add.f32.msk $0xffff, v7  }
0x118: {  	[tilespmem:s13+$0x9E80] =	vst.add.f32.msk $0xffff, v8  }
0x119: {  	v2 =	vld.idx.msk [tilespmem:v0+s13+$0x10 ss:$0x1], $0xffff  }
0x11a: {  	[tilespmem:s13+$0x9EE0] =	vst.add.f32.msk $0xffff, v1  }
0x11b: {  	v1 =	vld.idx.msk [tilespmem:v0+s13+$0x1F0 ss:$0x1], $0xffff  }
0x11c: {  	v3 =	vld.idx.msk [tilespmem:v0+s13+$0x50 ss:$0x1], $0xffff  }
0x11d: {  	v4 =	vld.idx.msk [tilespmem:v0+s13+$0x90 ss:$0x1], $0xffff  }
0x11e: {  	v5 =	vld.idx.msk [tilespmem:v0+s13+$0xD0 ss:$0x1], $0xffff  }
0x11f: {  	v6 =	vld.idx.msk [tilespmem:v0+s13+$0x110 ss:$0x1], $0xffff  }
0x120: {  	v7 =	vld.idx.msk [tilespmem:v0+s13+$0x150 ss:$0x1], $0xffff  }
0x121: {  	[tilespmem:s13+$0x9EF0] =	vst.add.f32.msk $0xffff, v1  }
0x122: {  	v1 =	vld.idx.msk [tilespmem:v0+s13+$0x190 ss:$0x1], $0xffff  }
0x123: {  	[tilespmem:s13+$0x9D10] =	vst.add.f32.msk $0xffff, v2  }
0x124: {  	[tilespmem:s13+$0x9D50] =	vst.add.f32.msk $0xffff, v3  }
0x125: {  	[tilespmem:s13+$0x9D90] =	vst.add.f32.msk $0xffff, v4  }
0x126: {  	[tilespmem:s13+$0x9DD0] =	vst.add.f32.msk $0xffff, v5  }
0x127: {  	[tilespmem:s13+$0x9E10] =	vst.add.f32.msk $0xffff, v6  }
0x128: {  	[tilespmem:s13+$0x9E50] =	vst.add.f32.msk $0xffff, v7  }
0x129: {  	[tilespmem:s13+$0x9E90] =	vst.add.f32.msk $0xffff, v1  }
0x12a: {  	v1 =	vld.idx.msk [tilespmem:v0+s13+$0x20 ss:$0x1], $0xffff  }
0x12b: {  	v2 =	vld.idx.msk [tilespmem:v0+s13+$0x60 ss:$0x1], $0xffff  }
0x12c: {  	v3 =	vld.idx.msk [tilespmem:v0+s13+$0xA0 ss:$0x1], $0xffff  }
0x12d: {  	v4 =	vld.idx.msk [tilespmem:v0+s13+$0xE0 ss:$0x1], $0xffff  }
0x12e: {  	v5 =	vld.idx.msk [tilespmem:v0+s13+$0x120 ss:$0x1], $0xffff  }
0x12f: {  	v6 =	vld.idx.msk [tilespmem:v0+s13+$0x160 ss:$0x1], $0xffff  }
0x130: {  	v7 =	vld.idx.msk [tilespmem:v0+s13+$0x1A0 ss:$0x1], $0xffff  }
0x131: {  	[tilespmem:s13+$0x9D20] =	vst.add.f32.msk $0xffff, v1  }
0x132: {  	[tilespmem:s13+$0x9D60] =	vst.add.f32.msk $0xffff, v2  }
0x133: {  	[tilespmem:s13+$0x9DA0] =	vst.add.f32.msk $0xffff, v3  }
0x134: {  	[tilespmem:s13+$0x9DE0] =	vst.add.f32.msk $0xffff, v4  }
0x135: {  	[tilespmem:s13+$0x9E20] =	vst.add.f32.msk $0xffff, v5  }
0x136: {  	[tilespmem:s13+$0x9E60] =	vst.add.f32.msk $0xffff, v6  }
0x137: {  	[tilespmem:s13+$0x9EA0] =	vst.add.f32.msk $0xffff, v7  }
0x138: {  	v2 =	vld.idx.msk [tilespmem:v0+s13+$0x30 ss:$0x1], $0xffff  }
0x139: {  	v3 =	vld.idx.msk [tilespmem:v0+s13+$0x70 ss:$0x1], $0xffff  }
0x13a: {  	v4 =	vld.idx.msk [tilespmem:v0+s13+$0xB0 ss:$0x1], $0xffff  }
0x13b: {  	v5 =	vld.idx.msk [tilespmem:v0+s13+$0xF0 ss:$0x1], $0xffff  }
0x13c: {  	v6 =	vld.idx.msk [tilespmem:v0+s13+$0x130 ss:$0x1], $0xffff  }
0x13d: {  	v7 =	vld.idx.msk [tilespmem:v0+s13+$0x170 ss:$0x1], $0xffff  }
0x13e: {  	v1 =	vld.idx.msk [tilespmem:v0+s13+$0x1B0 ss:$0x1], $0xffff  }
0x13f: {  	[tilespmem:s13+$0x9D30] =	vst.add.f32.msk $0xffff, v2  }
.Ltmp3:
0x140: {  	[tilespmem:s13+$0x9D70] =	vst.add.f32.msk $0xffff, v3;
	(pc) =	sbr.rel @p0 .LBB2_5-.Ltmp3, $4  }
0x141: {  	[tilespmem:s13+$0x9DB0] =	vst.add.f32.msk $0xffff, v4  }
0x142: {  	[tilespmem:s13+$0x9DF0] =	vst.add.f32.msk $0xffff, v5  }
0x143: {  	[tilespmem:s13+$0x9E30] =	vst.add.f32.msk $0xffff, v6  }
0x144: {  	s14 =	sadd.s32 $0x800, s14;
	[tilespmem:s13+$0x9E70] =	vst.add.f32.msk $0xffff, v7  }
0x145: {  	s14 =	sadd.s32 s3, s16  }
0x146: {  	s18 =	sadd.s32 $0xFFFFFFFF, s9;
	s14 =	sshll.u32 s14, $0x3  }
0x147: {  	p0 =	sgt.u32 s18, $0x2C;
	s14 =	sand.u32 $0x1FFFFC00, s14  }
0x148: {  	[tilespmem:s13+$0x9EB0] =	vst.add.f32.msk $0xffff, v1;
	s16 =	simm.s32 $0x9D00;
	s13 =	simm.s32 @!p0 $0xA;
	s14 =	sadd.s32 s2, s14  }
0x149: {  	[hbm4b:s14+s4] =	stream.linear.scatter [tilespmem:s16], [sflag:$0x7], $0x2000, $0x38;
	[tilespmem:$0x11D00] =	vst v63  }
0x14a: {  	s14 =	sadd.s32 $0x4, s9;
	_ =	swait.ge @!p0 [sflag:s13], $0x2000  }
0x14b: {  	s9 =	sshll.u32 s14, $0x7;
	[sflag:s13] =	ssyncset.done @!p0 $0x0  }
0x14c: {  	v0 =	vmov s12;
	s18 =	simm.s32 $0xFD00;
	s16 =	sand.u32 $0x3FFFFF80, s9;
	[sflag:s13] =	ssyncadd.s32 @!p0 $0xFFFFE000  }
0x14d: {  	[tilespmem:s18], [sflag:$0x5] =	stream.indirect.gather [hbm4b:s5+s15], $0x40, s16, s15, $0xb8;
	[tilespmem:$0x11D00] =	vst v63  }
0x14e: {  	_ =	swait.ge [sflag:s19], $0x2000  }
0x14f: {  	[sflag:s19] =	ssyncset.done $0x0  }
0x150: {  	s12 =	simm.s32 $0x0;
	[sflag:s19] =	ssyncadd.s32 $0xFFFFE000  }
0x151: {  	v1 =	vld.idx.msk [tilespmem:v0+s12+$0x1C0 ss:$0x1], $0xffff  }
0x152: {  	v2 =	vld.idx.msk [tilespmem:v0+s12+$0x0 ss:$0x1], $0xffff  }
0x153: {  	v3 =	vld.idx.msk [tilespmem:v0+s12+$0x40 ss:$0x1], $0xffff  }
0x154: {  	v4 =	vld.idx.msk [tilespmem:v0+s12+$0x80 ss:$0x1], $0xffff  }
0x155: {  	v5 =	vld.idx.msk [tilespmem:v0+s12+$0xC0 ss:$0x1], $0xffff  }
0x156: {  	v6 =	vld.idx.msk [tilespmem:v0+s12+$0x100 ss:$0x1], $0xffff  }
0x157: {  	v7 =	vld.idx.msk [tilespmem:v0+s12+$0x140 ss:$0x1], $0xffff  }
0x158: {  	v8 =	vld.idx.msk [tilespmem:v0+s12+$0x180 ss:$0x1], $0xffff  }
0x159: {  	[tilespmem:s12+$0xBEC0] =	vst.add.f32.msk $0xffff, v1  }
0x15a: {  	[tilespmem:s12+$0xBD00] =	vst.add.f32.msk $0xffff, v2  }
0x15b: {  	[tilespmem:s12+$0xBD40] =	vst.add.f32.msk $0xffff, v3  }
0x15c: {  	[tilespmem:s12+$0xBD80] =	vst.add.f32.msk $0xffff, v4  }
0x15d: {  	[tilespmem:s12+$0xBDC0] =	vst.add.f32.msk $0xffff, v5  }
0x15e: {  	[tilespmem:s12+$0xBE00] =	vst.add.f32.msk $0xffff, v6  }
0x15f: {  	[tilespmem:s12+$0xBE40] =	vst.add.f32.msk $0xffff, v7  }
0x160: {  	[tilespmem:s12+$0xBE80] =	vst.add.f32.msk $0xffff, v8  }
0x161: {  	v1 =	vld.idx.msk [tilespmem:v0+s12+$0x1D0 ss:$0x1], $0xffff  }
0x162: {  	v2 =	vld.idx.msk [tilespmem:v0+s12+$0x10 ss:$0x1], $0xffff  }
0x163: {  	v3 =	vld.idx.msk [tilespmem:v0+s12+$0x50 ss:$0x1], $0xffff  }
0x164: {  	v4 =	vld.idx.msk [tilespmem:v0+s12+$0x90 ss:$0x1], $0xffff  }
0x165: {  	v5 =	vld.idx.msk [tilespmem:v0+s12+$0xD0 ss:$0x1], $0xffff  }
0x166: {  	v6 =	vld.idx.msk [tilespmem:v0+s12+$0x110 ss:$0x1], $0xffff  }
0x167: {  	v7 =	vld.idx.msk [tilespmem:v0+s12+$0x150 ss:$0x1], $0xffff  }
0x168: {  	[tilespmem:s12+$0xBED0] =	vst.add.f32.msk $0xffff, v1  }
0x169: {  	[tilespmem:s12+$0xBD10] =	vst.add.f32.msk $0xffff, v2  }
0x16a: {  	[tilespmem:s12+$0xBD50] =	vst.add.f32.msk $0xffff, v3  }
0x16b: {  	[tilespmem:s12+$0xBD90] =	vst.add.f32.msk $0xffff, v4  }
0x16c: {  	[tilespmem:s12+$0xBDD0] =	vst.add.f32.msk $0xffff, v5  }
0x16d: {  	[tilespmem:s12+$0xBE10] =	vst.add.f32.msk $0xffff, v6  }
0x16e: {  	[tilespmem:s12+$0xBE50] =	vst.add.f32.msk $0xffff, v7  }
0x16f: {  	v1 =	vld.idx.msk [tilespmem:v0+s12+$0x1E0 ss:$0x1], $0xffff  }
0x170: {  	v2 =	vld.idx.msk [tilespmem:v0+s12+$0x60 ss:$0x1], $0xffff  }
0x171: {  	v3 =	vld.idx.msk [tilespmem:v0+s12+$0xA0 ss:$0x1], $0xffff  }
0x172: {  	v56 =	vld.idx.msk [tilespmem:v0+s12+$0xE0 ss:$0x1], $0xffff  }
0x173: {  	v57 =	vld.idx.msk [tilespmem:v0+s12+$0x120 ss:$0x1], $0xffff  }
0x174: {  	v58 =	vld.idx.msk [tilespmem:v0+s12+$0x160 ss:$0x1], $0xffff  }
0x175: {  	[tilespmem:s12+$0xBEE0] =	vst.add.f32.msk $0xffff, v1  }
0x176: {  	[tilespmem:s12+$0xBD60] =	vst.add.f32.msk $0xffff, v2  }
0x177: {  	v1 =	vld.idx.msk [tilespmem:v0+s12+$0x1F0 ss:$0x1], $0xffff  }
0x178: {  	[tilespmem:s12+$0xBDA0] =	vst.add.f32.msk $0xffff, v3  }
0x179: {  	[tilespmem:s12+$0xBDE0] =	vst.add.f32.msk $0xffff, v56  }
0x17a: {  	[tilespmem:s12+$0xBE20] =	vst.add.f32.msk $0xffff, v57  }
0x17b: {  	[tilespmem:s12+$0xBE60] =	vst.add.f32.msk $0xffff, v58  }
0x17c: {  	[tilespmem:s12+$0xBEF0] =	vst.add.f32.msk $0xffff, v1  }
0x17d: {  	v1 =	vld.idx.msk [tilespmem:v0+s12+$0x190 ss:$0x1], $0xffff  }
0x17e: {  	v3 =	vld.idx.msk [tilespmem:v0+s12+$0x70 ss:$0x1], $0xffff  }
0x17f: {  	v60 =	vld.idx.msk [tilespmem:v0+s12+$0xB0 ss:$0x1], $0xffff  }
0x180: {  	v61 =	vld.idx.msk [tilespmem:v0+s12+$0xF0 ss:$0x1], $0xffff  }
0x181: {  	v62 =	vld.idx.msk [tilespmem:v0+s12+$0x130 ss:$0x1], $0xffff  }
0x182: {  	[tilespmem:s12+$0xBE90] =	vst.add.f32.msk $0xffff, v1  }
0x183: {  	v1 =	vld.idx.msk [tilespmem:v0+s12+$0x20 ss:$0x1], $0xffff  }
0x184: {  	v59 =	vld.idx.msk [tilespmem:v0+s12+$0x1A0 ss:$0x1], $0xffff  }
0x185: {  	v63 =	vld.idx.msk [tilespmem:v0+s12+$0x170 ss:$0x1], $0xffff  }
0x186: {  	[tilespmem:s12+$0xBD70] =	vst.add.f32.msk $0xffff, v3  }
0x187: {  	[tilespmem:s12+$0xBDB0] =	vst.add.f32.msk $0xffff, v60  }
0x188: {  	[tilespmem:s12+$0xBD20] =	vst.add.f32.msk $0xffff, v1  }
0x189: {  	[tilespmem:s12+$0xBEA0] =	vst.add.f32.msk $0xffff, v59  }
0x18a: {  	v2 =	vld.idx.msk [tilespmem:v0+s12+$0x30 ss:$0x1], $0xffff  }
0x18b: {  	v1 =	vld.idx.msk [tilespmem:v0+s12+$0x1B0 ss:$0x1], $0xffff  }
0x18c: {  	[tilespmem:s12+$0xBDF0] =	vst.add.f32.msk $0xffff, v61  }
0x18d: {  	[tilespmem:s12+$0xBE30] =	vst.add.f32.msk $0xffff, v62  }
0x18e: {  	[tilespmem:s12+$0xBE70] =	vst.add.f32.msk $0xffff, v63  }
0x18f: {  	s11 =	sadd.s32 $0x100, s11;
	s14 =	simm.s32 $0x800;
	s13 =	simm.s32 $0x0;
	[tilespmem:s12+$0xBD30] =	vst.add.f32.msk $0xffff, v2  }
.LBB2_7:
0x190: {  	s13 =	sadd.s32 $0x8, s13;
	[tilespmem:s12+$0xBEB0] =	vst.add.f32.msk $0xffff, v1;
	s12 =	sshra.s32 s14, $0x2  }
0x191: {  	v1 =	vld.idx.msk [tilespmem:v0+s12+$0x1C0 ss:$0x1], $0xffff;
	p0 =	slt.u32 s13, $0x78  }
0x192: {  	v2 =	vld.idx.msk [tilespmem:v0+s12+$0x0 ss:$0x1], $0xffff  }
0x193: {  	v3 =	vld.idx.msk [tilespmem:v0+s12+$0x40 ss:$0x1], $0xffff  }
0x194: {  	v4 =	vld.idx.msk [tilespmem:v0+s12+$0x80 ss:$0x1], $0xffff  }
0x195: {  	v5 =	vld.idx.msk [tilespmem:v0+s12+$0xC0 ss:$0x1], $0xffff  }
0x196: {  	v6 =	vld.idx.msk [tilespmem:v0+s12+$0x100 ss:$0x1], $0xffff  }
0x197: {  	[tilespmem:s12+$0xBEC0] =	vst.add.f32.msk $0xffff, v1  }
0x198: {  	v1 =	vld.idx.msk [tilespmem:v0+s12+$0x1D0 ss:$0x1], $0xffff  }
0x199: {  	v7 =	vld.idx.msk [tilespmem:v0+s12+$0x140 ss:$0x1], $0xffff  }
0x19a: {  	v8 =	vld.idx.msk [tilespmem:v0+s12+$0x180 ss:$0x1], $0xffff  }
0x19b: {  	[tilespmem:s12+$0xBD00] =	vst.add.f32.msk $0xffff, v2  }
0x19c: {  	[tilespmem:s12+$0xBD40] =	vst.add.f32.msk $0xffff, v3  }
0x19d: {  	[tilespmem:s12+$0xBD80] =	vst.add.f32.msk $0xffff, v4  }
0x19e: {  	[tilespmem:s12+$0xBED0] =	vst.add.f32.msk $0xffff, v1  }
0x19f: {  	v1 =	vld.idx.msk [tilespmem:v0+s12+$0x1E0 ss:$0x1], $0xffff  }
0x1a0: {  	[tilespmem:s12+$0xBDC0] =	vst.add.f32.msk $0xffff, v5  }
0x1a1: {  	[tilespmem:s12+$0xBE00] =	vst.add.f32.msk $0xffff, v6  }
0x1a2: {  	[tilespmem:s12+$0xBE40] =	vst.add.f32.msk $0xffff, v7  }
0x1a3: {  	[tilespmem:s12+$0xBE80] =	vst.add.f32.msk $0xffff, v8  }
0x1a4: {  	v2 =	vld.idx.msk [tilespmem:v0+s12+$0x10 ss:$0x1], $0xffff  }
0x1a5: {  	[tilespmem:s12+$0xBEE0] =	vst.add.f32.msk $0xffff, v1  }
0x1a6: {  	v1 =	vld.idx.msk [tilespmem:v0+s12+$0x1F0 ss:$0x1], $0xffff  }
0x1a7: {  	v3 =	vld.idx.msk [tilespmem:v0+s12+$0x50 ss:$0x1], $0xffff  }
0x1a8: {  	v4 =	vld.idx.msk [tilespmem:v0+s12+$0x90 ss:$0x1], $0xffff  }
0x1a9: {  	v5 =	vld.idx.msk [tilespmem:v0+s12+$0xD0 ss:$0x1], $0xffff  }
0x1aa: {  	v6 =	vld.idx.msk [tilespmem:v0+s12+$0x110 ss:$0x1], $0xffff  }
0x1ab: {  	v7 =	vld.idx.msk [tilespmem:v0+s12+$0x150 ss:$0x1], $0xffff  }
0x1ac: {  	[tilespmem:s12+$0xBEF0] =	vst.add.f32.msk $0xffff, v1  }
0x1ad: {  	v1 =	vld.idx.msk [tilespmem:v0+s12+$0x190 ss:$0x1], $0xffff  }
0x1ae: {  	[tilespmem:s12+$0xBD10] =	vst.add.f32.msk $0xffff, v2  }
0x1af: {  	[tilespmem:s12+$0xBD50] =	vst.add.f32.msk $0xffff, v3  }
0x1b0: {  	[tilespmem:s12+$0xBD90] =	vst.add.f32.msk $0xffff, v4  }
0x1b1: {  	[tilespmem:s12+$0xBDD0] =	vst.add.f32.msk $0xffff, v5  }
0x1b2: {  	[tilespmem:s12+$0xBE10] =	vst.add.f32.msk $0xffff, v6  }
0x1b3: {  	[tilespmem:s12+$0xBE50] =	vst.add.f32.msk $0xffff, v7  }
0x1b4: {  	[tilespmem:s12+$0xBE90] =	vst.add.f32.msk $0xffff, v1  }
0x1b5: {  	v1 =	vld.idx.msk [tilespmem:v0+s12+$0x20 ss:$0x1], $0xffff  }
0x1b6: {  	v2 =	vld.idx.msk [tilespmem:v0+s12+$0x60 ss:$0x1], $0xffff  }
0x1b7: {  	v3 =	vld.idx.msk [tilespmem:v0+s12+$0xA0 ss:$0x1], $0xffff  }
0x1b8: {  	v4 =	vld.idx.msk [tilespmem:v0+s12+$0xE0 ss:$0x1], $0xffff  }
0x1b9: {  	v5 =	vld.idx.msk [tilespmem:v0+s12+$0x120 ss:$0x1], $0xffff  }
0x1ba: {  	v6 =	vld.idx.msk [tilespmem:v0+s12+$0x160 ss:$0x1], $0xffff  }
0x1bb: {  	v7 =	vld.idx.msk [tilespmem:v0+s12+$0x1A0 ss:$0x1], $0xffff  }
0x1bc: {  	[tilespmem:s12+$0xBD20] =	vst.add.f32.msk $0xffff, v1  }
0x1bd: {  	[tilespmem:s12+$0xBD60] =	vst.add.f32.msk $0xffff, v2  }
0x1be: {  	[tilespmem:s12+$0xBDA0] =	vst.add.f32.msk $0xffff, v3  }
0x1bf: {  	[tilespmem:s12+$0xBDE0] =	vst.add.f32.msk $0xffff, v4  }
0x1c0: {  	[tilespmem:s12+$0xBE20] =	vst.add.f32.msk $0xffff, v5  }
0x1c1: {  	[tilespmem:s12+$0xBE60] =	vst.add.f32.msk $0xffff, v6  }
0x1c2: {  	[tilespmem:s12+$0xBEA0] =	vst.add.f32.msk $0xffff, v7  }
0x1c3: {  	v2 =	vld.idx.msk [tilespmem:v0+s12+$0x30 ss:$0x1], $0xffff  }
0x1c4: {  	v3 =	vld.idx.msk [tilespmem:v0+s12+$0x70 ss:$0x1], $0xffff  }
0x1c5: {  	v4 =	vld.idx.msk [tilespmem:v0+s12+$0xB0 ss:$0x1], $0xffff  }
0x1c6: {  	v5 =	vld.idx.msk [tilespmem:v0+s12+$0xF0 ss:$0x1], $0xffff  }
0x1c7: {  	v6 =	vld.idx.msk [tilespmem:v0+s12+$0x130 ss:$0x1], $0xffff  }
0x1c8: {  	v7 =	vld.idx.msk [tilespmem:v0+s12+$0x170 ss:$0x1], $0xffff  }
0x1c9: {  	v1 =	vld.idx.msk [tilespmem:v0+s12+$0x1B0 ss:$0x1], $0xffff  }
0x1ca: {  	[tilespmem:s12+$0xBD30] =	vst.add.f32.msk $0xffff, v2  }
.Ltmp4:
0x1cb: {  	[tilespmem:s12+$0xBD70] =	vst.add.f32.msk $0xffff, v3;
	(pc) =	sbr.rel @p0 .LBB2_7-.Ltmp4, $4  }
0x1cc: {  	[tilespmem:s12+$0xBDB0] =	vst.add.f32.msk $0xffff, v4  }
0x1cd: {  	[tilespmem:s12+$0xBDF0] =	vst.add.f32.msk $0xffff, v5  }
0x1ce: {  	[tilespmem:s12+$0xBE30] =	vst.add.f32.msk $0xffff, v6  }
0x1cf: {  	s14 =	sadd.s32 $0x800, s14;
	[tilespmem:s12+$0xBE70] =	vst.add.f32.msk $0xffff, v7  }
0x1d0: {  	s11 =	sadd.s32 s3, s11  }
0x1d1: {  	s11 =	sshll.u32 s11, $0x3  }
0x1d2: {  	s11 =	sand.u32 $0x1FFFFC00, s11  }
0x1d3: {  	[tilespmem:s12+$0xBEB0] =	vst.add.f32.msk $0xffff, v1;
	s16 =	simm.s32 $0xBD00;
	p0 =	seq.s32 s23, $0x9;
	s11 =	sadd.s32 s2, s11  }
0x1d4: {  	[hbm4b:s11+s4] =	stream.linear.scatter [tilespmem:s16], [sflag:$0x8], $0x2000, $0x38;
	[tilespmem:$0x11D00] =	vst v63  }
0x1d5: {  	s11 =	simm.s32 @!p0 $0x6  }
0x1d6: {  	s12 =	smul.u32 @!p0 $0xA00, s23;
	_ =	swait.ge @!p0 [sflag:s11], $0x2000  }
0x1d7: {  	[sflag:s11] =	ssyncset.done @!p0 $0x0  }
0x1d8: {  	[sflag:s11] =	ssyncadd.s32 @!p0 $0xFFFFE000;
	s11 =	sshra.s32 @!p0 s12, $0x2  }
0x1d9: {  	v0 =	vmov s28;
	s13 =	simm.s32 @!p0 $0x80;
	s14 =	simm.s32 @!p0 $0x7D00;
	s12 =	sadd.s32 @!p0 $0x280, s11  }
0x1da: {  	[tilespmem:s14], [sflag:$0x1] =	stream.indirect.gather @!p0 [hbm4b:s5+s13], $0x40, s12, s13, $0xb8;
	[tilespmem:$0x11D00] =	vst v63  }
0x1db: {  	_ =	swait.ge [sflag:s20], $0x2000  }
0x1dc: {  	[sflag:s20] =	ssyncset.done $0x0  }
0x1dd: {  	s12 =	simm.s32 $0x0;
	[sflag:s20] =	ssyncadd.s32 $0xFFFFE000  }
0x1de: {  	v1 =	vld.idx.msk [tilespmem:v0+s12+$0x1C0 ss:$0x1], $0xffff  }
0x1df: {  	v2 =	vld.idx.msk [tilespmem:v0+s12+$0x0 ss:$0x1], $0xffff  }
0x1e0: {  	v3 =	vld.idx.msk [tilespmem:v0+s12+$0x40 ss:$0x1], $0xffff  }
0x1e1: {  	v4 =	vld.idx.msk [tilespmem:v0+s12+$0x80 ss:$0x1], $0xffff  }
0x1e2: {  	v5 =	vld.idx.msk [tilespmem:v0+s12+$0xC0 ss:$0x1], $0xffff  }
0x1e3: {  	v6 =	vld.idx.msk [tilespmem:v0+s12+$0x100 ss:$0x1], $0xffff  }
0x1e4: {  	v7 =	vld.idx.msk [tilespmem:v0+s12+$0x140 ss:$0x1], $0xffff  }
0x1e5: {  	v8 =	vld.idx.msk [tilespmem:v0+s12+$0x180 ss:$0x1], $0xffff  }
0x1e6: {  	[tilespmem:s12+$0xDEC0] =	vst.add.f32.msk $0xffff, v1  }
0x1e7: {  	[tilespmem:s12+$0xDD00] =	vst.add.f32.msk $0xffff, v2  }
0x1e8: {  	[tilespmem:s12+$0xDD40] =	vst.add.f32.msk $0xffff, v3  }
0x1e9: {  	[tilespmem:s12+$0xDD80] =	vst.add.f32.msk $0xffff, v4  }
0x1ea: {  	[tilespmem:s12+$0xDDC0] =	vst.add.f32.msk $0xffff, v5  }
0x1eb: {  	[tilespmem:s12+$0xDE00] =	vst.add.f32.msk $0xffff, v6  }
0x1ec: {  	[tilespmem:s12+$0xDE40] =	vst.add.f32.msk $0xffff, v7  }
0x1ed: {  	[tilespmem:s12+$0xDE80] =	vst.add.f32.msk $0xffff, v8  }
0x1ee: {  	v1 =	vld.idx.msk [tilespmem:v0+s12+$0x1D0 ss:$0x1], $0xffff  }
0x1ef: {  	v2 =	vld.idx.msk [tilespmem:v0+s12+$0x10 ss:$0x1], $0xffff  }
0x1f0: {  	v3 =	vld.idx.msk [tilespmem:v0+s12+$0x50 ss:$0x1], $0xffff  }
0x1f1: {  	v4 =	vld.idx.msk [tilespmem:v0+s12+$0x90 ss:$0x1], $0xffff  }
0x1f2: {  	v5 =	vld.idx.msk [tilespmem:v0+s12+$0xD0 ss:$0x1], $0xffff  }
0x1f3: {  	v6 =	vld.idx.msk [tilespmem:v0+s12+$0x110 ss:$0x1], $0xffff  }
0x1f4: {  	v7 =	vld.idx.msk [tilespmem:v0+s12+$0x150 ss:$0x1], $0xffff  }
0x1f5: {  	[tilespmem:s12+$0xDED0] =	vst.add.f32.msk $0xffff, v1  }
0x1f6: {  	[tilespmem:s12+$0xDD10] =	vst.add.f32.msk $0xffff, v2  }
0x1f7: {  	[tilespmem:s12+$0xDD50] =	vst.add.f32.msk $0xffff, v3  }
0x1f8: {  	[tilespmem:s12+$0xDD90] =	vst.add.f32.msk $0xffff, v4  }
0x1f9: {  	[tilespmem:s12+$0xDDD0] =	vst.add.f32.msk $0xffff, v5  }
0x1fa: {  	[tilespmem:s12+$0xDE10] =	vst.add.f32.msk $0xffff, v6  }
0x1fb: {  	[tilespmem:s12+$0xDE50] =	vst.add.f32.msk $0xffff, v7  }
0x1fc: {  	v1 =	vld.idx.msk [tilespmem:v0+s12+$0x1E0 ss:$0x1], $0xffff  }
0x1fd: {  	v2 =	vld.idx.msk [tilespmem:v0+s12+$0x60 ss:$0x1], $0xffff  }
0x1fe: {  	v3 =	vld.idx.msk [tilespmem:v0+s12+$0xA0 ss:$0x1], $0xffff  }
0x1ff: {  	v56 =	vld.idx.msk [tilespmem:v0+s12+$0xE0 ss:$0x1], $0xffff  }
0x200: {  	v57 =	vld.idx.msk [tilespmem:v0+s12+$0x120 ss:$0x1], $0xffff  }
0x201: {  	v58 =	vld.idx.msk [tilespmem:v0+s12+$0x160 ss:$0x1], $0xffff  }
0x202: {  	[tilespmem:s12+$0xDEE0] =	vst.add.f32.msk $0xffff, v1  }
0x203: {  	[tilespmem:s12+$0xDD60] =	vst.add.f32.msk $0xffff, v2  }
0x204: {  	v1 =	vld.idx.msk [tilespmem:v0+s12+$0x1F0 ss:$0x1], $0xffff  }
0x205: {  	[tilespmem:s12+$0xDDA0] =	vst.add.f32.msk $0xffff, v3  }
0x206: {  	[tilespmem:s12+$0xDDE0] =	vst.add.f32.msk $0xffff, v56  }
0x207: {  	[tilespmem:s12+$0xDE20] =	vst.add.f32.msk $0xffff, v57  }
0x208: {  	[tilespmem:s12+$0xDE60] =	vst.add.f32.msk $0xffff, v58  }
0x209: {  	[tilespmem:s12+$0xDEF0] =	vst.add.f32.msk $0xffff, v1  }
0x20a: {  	v1 =	vld.idx.msk [tilespmem:v0+s12+$0x190 ss:$0x1], $0xffff  }
0x20b: {  	v3 =	vld.idx.msk [tilespmem:v0+s12+$0x70 ss:$0x1], $0xffff  }
0x20c: {  	v60 =	vld.idx.msk [tilespmem:v0+s12+$0xB0 ss:$0x1], $0xffff  }
0x20d: {  	v61 =	vld.idx.msk [tilespmem:v0+s12+$0xF0 ss:$0x1], $0xffff  }
0x20e: {  	v62 =	vld.idx.msk [tilespmem:v0+s12+$0x130 ss:$0x1], $0xffff  }
0x20f: {  	[tilespmem:s12+$0xDE90] =	vst.add.f32.msk $0xffff, v1  }
0x210: {  	v1 =	vld.idx.msk [tilespmem:v0+s12+$0x20 ss:$0x1], $0xffff  }
0x211: {  	v59 =	vld.idx.msk [tilespmem:v0+s12+$0x1A0 ss:$0x1], $0xffff  }
0x212: {  	v63 =	vld.idx.msk [tilespmem:v0+s12+$0x170 ss:$0x1], $0xffff  }
0x213: {  	[tilespmem:s12+$0xDD70] =	vst.add.f32.msk $0xffff, v3  }
0x214: {  	[tilespmem:s12+$0xDDB0] =	vst.add.f32.msk $0xffff, v60  }
0x215: {  	[tilespmem:s12+$0xDD20] =	vst.add.f32.msk $0xffff, v1  }
0x216: {  	[tilespmem:s12+$0xDEA0] =	vst.add.f32.msk $0xffff, v59  }
0x217: {  	v2 =	vld.idx.msk [tilespmem:v0+s12+$0x30 ss:$0x1], $0xffff  }
0x218: {  	v1 =	vld.idx.msk [tilespmem:v0+s12+$0x1B0 ss:$0x1], $0xffff  }
0x219: {  	[tilespmem:s12+$0xDDF0] =	vst.add.f32.msk $0xffff, v61  }
0x21a: {  	[tilespmem:s12+$0xDE30] =	vst.add.f32.msk $0xffff, v62  }
0x21b: {  	[tilespmem:s12+$0xDE70] =	vst.add.f32.msk $0xffff, v63  }
0x21c: {  	s13 =	simm.s32 $0x0;
	s14 =	simm.s32 $0x800;
	[tilespmem:s12+$0xDD30] =	vst.add.f32.msk $0xffff, v2  }
.LBB2_9:
0x21d: {  	s13 =	sadd.s32 $0x8, s13;
	[tilespmem:s12+$0xDEB0] =	vst.add.f32.msk $0xffff, v1;
	s12 =	sshra.s32 s14, $0x2  }
0x21e: {  	v1 =	vld.idx.msk [tilespmem:v0+s12+$0x1C0 ss:$0x1], $0xffff;
	p1 =	slt.u32 s13, $0x78  }
0x21f: {  	v2 =	vld.idx.msk [tilespmem:v0+s12+$0x0 ss:$0x1], $0xffff  }
0x220: {  	v3 =	vld.idx.msk [tilespmem:v0+s12+$0x40 ss:$0x1], $0xffff  }
0x221: {  	v4 =	vld.idx.msk [tilespmem:v0+s12+$0x80 ss:$0x1], $0xffff  }
0x222: {  	v5 =	vld.idx.msk [tilespmem:v0+s12+$0xC0 ss:$0x1], $0xffff  }
0x223: {  	v6 =	vld.idx.msk [tilespmem:v0+s12+$0x100 ss:$0x1], $0xffff  }
0x224: {  	[tilespmem:s12+$0xDEC0] =	vst.add.f32.msk $0xffff, v1  }
0x225: {  	v1 =	vld.idx.msk [tilespmem:v0+s12+$0x1D0 ss:$0x1], $0xffff  }
0x226: {  	v7 =	vld.idx.msk [tilespmem:v0+s12+$0x140 ss:$0x1], $0xffff  }
0x227: {  	v8 =	vld.idx.msk [tilespmem:v0+s12+$0x180 ss:$0x1], $0xffff  }
0x228: {  	[tilespmem:s12+$0xDD00] =	vst.add.f32.msk $0xffff, v2  }
0x229: {  	[tilespmem:s12+$0xDD40] =	vst.add.f32.msk $0xffff, v3  }
0x22a: {  	[tilespmem:s12+$0xDD80] =	vst.add.f32.msk $0xffff, v4  }
0x22b: {  	[tilespmem:s12+$0xDED0] =	vst.add.f32.msk $0xffff, v1  }
0x22c: {  	v1 =	vld.idx.msk [tilespmem:v0+s12+$0x1E0 ss:$0x1], $0xffff  }
0x22d: {  	[tilespmem:s12+$0xDDC0] =	vst.add.f32.msk $0xffff, v5  }
0x22e: {  	[tilespmem:s12+$0xDE00] =	vst.add.f32.msk $0xffff, v6  }
0x22f: {  	[tilespmem:s12+$0xDE40] =	vst.add.f32.msk $0xffff, v7  }
0x230: {  	[tilespmem:s12+$0xDE80] =	vst.add.f32.msk $0xffff, v8  }
0x231: {  	v2 =	vld.idx.msk [tilespmem:v0+s12+$0x10 ss:$0x1], $0xffff  }
0x232: {  	[tilespmem:s12+$0xDEE0] =	vst.add.f32.msk $0xffff, v1  }
0x233: {  	v1 =	vld.idx.msk [tilespmem:v0+s12+$0x1F0 ss:$0x1], $0xffff  }
0x234: {  	v3 =	vld.idx.msk [tilespmem:v0+s12+$0x50 ss:$0x1], $0xffff  }
0x235: {  	v4 =	vld.idx.msk [tilespmem:v0+s12+$0x90 ss:$0x1], $0xffff  }
0x236: {  	v5 =	vld.idx.msk [tilespmem:v0+s12+$0xD0 ss:$0x1], $0xffff  }
0x237: {  	v6 =	vld.idx.msk [tilespmem:v0+s12+$0x110 ss:$0x1], $0xffff  }
0x238: {  	v7 =	vld.idx.msk [tilespmem:v0+s12+$0x150 ss:$0x1], $0xffff  }
0x239: {  	[tilespmem:s12+$0xDEF0] =	vst.add.f32.msk $0xffff, v1  }
0x23a: {  	v1 =	vld.idx.msk [tilespmem:v0+s12+$0x190 ss:$0x1], $0xffff  }
0x23b: {  	[tilespmem:s12+$0xDD10] =	vst.add.f32.msk $0xffff, v2  }
0x23c: {  	[tilespmem:s12+$0xDD50] =	vst.add.f32.msk $0xffff, v3  }
0x23d: {  	[tilespmem:s12+$0xDD90] =	vst.add.f32.msk $0xffff, v4  }
0x23e: {  	[tilespmem:s12+$0xDDD0] =	vst.add.f32.msk $0xffff, v5  }
0x23f: {  	[tilespmem:s12+$0xDE10] =	vst.add.f32.msk $0xffff, v6  }
0x240: {  	[tilespmem:s12+$0xDE50] =	vst.add.f32.msk $0xffff, v7  }
0x241: {  	[tilespmem:s12+$0xDE90] =	vst.add.f32.msk $0xffff, v1  }
0x242: {  	v1 =	vld.idx.msk [tilespmem:v0+s12+$0x20 ss:$0x1], $0xffff  }
0x243: {  	v2 =	vld.idx.msk [tilespmem:v0+s12+$0x60 ss:$0x1], $0xffff  }
0x244: {  	v3 =	vld.idx.msk [tilespmem:v0+s12+$0xA0 ss:$0x1], $0xffff  }
0x245: {  	v4 =	vld.idx.msk [tilespmem:v0+s12+$0xE0 ss:$0x1], $0xffff  }
0x246: {  	v5 =	vld.idx.msk [tilespmem:v0+s12+$0x120 ss:$0x1], $0xffff  }
0x247: {  	v6 =	vld.idx.msk [tilespmem:v0+s12+$0x160 ss:$0x1], $0xffff  }
0x248: {  	v7 =	vld.idx.msk [tilespmem:v0+s12+$0x1A0 ss:$0x1], $0xffff  }
0x249: {  	[tilespmem:s12+$0xDD20] =	vst.add.f32.msk $0xffff, v1  }
0x24a: {  	[tilespmem:s12+$0xDD60] =	vst.add.f32.msk $0xffff, v2  }
0x24b: {  	[tilespmem:s12+$0xDDA0] =	vst.add.f32.msk $0xffff, v3  }
0x24c: {  	[tilespmem:s12+$0xDDE0] =	vst.add.f32.msk $0xffff, v4  }
0x24d: {  	[tilespmem:s12+$0xDE20] =	vst.add.f32.msk $0xffff, v5  }
0x24e: {  	[tilespmem:s12+$0xDE60] =	vst.add.f32.msk $0xffff, v6  }
0x24f: {  	[tilespmem:s12+$0xDEA0] =	vst.add.f32.msk $0xffff, v7  }
0x250: {  	v2 =	vld.idx.msk [tilespmem:v0+s12+$0x30 ss:$0x1], $0xffff  }
0x251: {  	v3 =	vld.idx.msk [tilespmem:v0+s12+$0x70 ss:$0x1], $0xffff  }
0x252: {  	v4 =	vld.idx.msk [tilespmem:v0+s12+$0xB0 ss:$0x1], $0xffff  }
0x253: {  	v5 =	vld.idx.msk [tilespmem:v0+s12+$0xF0 ss:$0x1], $0xffff  }
0x254: {  	v6 =	vld.idx.msk [tilespmem:v0+s12+$0x130 ss:$0x1], $0xffff  }
0x255: {  	v7 =	vld.idx.msk [tilespmem:v0+s12+$0x170 ss:$0x1], $0xffff  }
0x256: {  	v1 =	vld.idx.msk [tilespmem:v0+s12+$0x1B0 ss:$0x1], $0xffff  }
0x257: {  	[tilespmem:s12+$0xDD30] =	vst.add.f32.msk $0xffff, v2  }
.Ltmp5:
0x258: {  	[tilespmem:s12+$0xDD70] =	vst.add.f32.msk $0xffff, v3;
	(pc) =	sbr.rel @p1 .LBB2_9-.Ltmp5, $4  }
0x259: {  	[tilespmem:s12+$0xDDB0] =	vst.add.f32.msk $0xffff, v4  }
0x25a: {  	[tilespmem:s12+$0xDDF0] =	vst.add.f32.msk $0xffff, v5  }
0x25b: {  	[tilespmem:s12+$0xDE30] =	vst.add.f32.msk $0xffff, v6  }
0x25c: {  	s14 =	sadd.s32 $0x800, s14;
	[tilespmem:s12+$0xDE70] =	vst.add.f32.msk $0xffff, v7  }
0x25d: {  	s13 =	sadd.s32 s3, s26  }
0x25e: {  	s13 =	sshll.u32 s13, $0x3  }
0x25f: {  	s13 =	sand.u32 $0x1FFFFC00, s13  }
0x260: {  	[tilespmem:s12+$0xDEB0] =	vst.add.f32.msk $0xffff, v1;
	s28 =	simm.s32 $0xDD00;
	s12 =	simm.s32 @!p0 $0x7;
	s26 =	sadd.s32 s2, s13  }
0x261: {  	[hbm4b:s26+s4] =	stream.linear.scatter [tilespmem:s28], [sflag:$0x9], $0x2000, $0x38;
	[tilespmem:$0x11D00] =	vst v63  }
0x262: {  	_ =	swait.ge @!p0 [sflag:s12], $0x2000  }
0x263: {  	s11 =	sadd.s32 @!p0 $0x300, s11;
	[sflag:s12] =	ssyncset.done @!p0 $0x0  }
0x264: {  	v0 =	vmov s25;
	s13 =	simm.s32 @!p0 $0x9D00;
	[sflag:s12] =	ssyncadd.s32 @!p0 $0xFFFFE000;
	s12 =	simm.s32 @!p0 $0x80  }
0x265: {  	[tilespmem:s13], [sflag:$0x2] =	stream.indirect.gather @!p0 [hbm4b:s5+s12], $0x40, s11, s12, $0xb8;
	[tilespmem:$0x11D00] =	vst v63  }
0x266: {  	_ =	swait.ge [sflag:s21], $0x2000  }
0x267: {  	[sflag:s21] =	ssyncset.done $0x0  }
0x268: {  	s11 =	simm.s32 $0x0;
	[sflag:s21] =	ssyncadd.s32 $0xFFFFE000  }
0x269: {  	v1 =	vld.idx.msk [tilespmem:v0+s11+$0x1C0 ss:$0x1], $0xffff  }
0x26a: {  	v2 =	vld.idx.msk [tilespmem:v0+s11+$0x0 ss:$0x1], $0xffff  }
0x26b: {  	v3 =	vld.idx.msk [tilespmem:v0+s11+$0x40 ss:$0x1], $0xffff  }
0x26c: {  	v4 =	vld.idx.msk [tilespmem:v0+s11+$0x80 ss:$0x1], $0xffff  }
0x26d: {  	v5 =	vld.idx.msk [tilespmem:v0+s11+$0xC0 ss:$0x1], $0xffff  }
0x26e: {  	v6 =	vld.idx.msk [tilespmem:v0+s11+$0x100 ss:$0x1], $0xffff  }
0x26f: {  	v7 =	vld.idx.msk [tilespmem:v0+s11+$0x140 ss:$0x1], $0xffff  }
0x270: {  	v8 =	vld.idx.msk [tilespmem:v0+s11+$0x180 ss:$0x1], $0xffff  }
0x271: {  	[tilespmem:s11+$0xFEC0] =	vst.add.f32.msk $0xffff, v1  }
0x272: {  	[tilespmem:s11+$0xFD00] =	vst.add.f32.msk $0xffff, v2  }
0x273: {  	[tilespmem:s11+$0xFD40] =	vst.add.f32.msk $0xffff, v3  }
0x274: {  	[tilespmem:s11+$0xFD80] =	vst.add.f32.msk $0xffff, v4  }
0x275: {  	[tilespmem:s11+$0xFDC0] =	vst.add.f32.msk $0xffff, v5  }
0x276: {  	[tilespmem:s11+$0xFE00] =	vst.add.f32.msk $0xffff, v6  }
0x277: {  	[tilespmem:s11+$0xFE40] =	vst.add.f32.msk $0xffff, v7  }
0x278: {  	[tilespmem:s11+$0xFE80] =	vst.add.f32.msk $0xffff, v8  }
0x279: {  	v1 =	vld.idx.msk [tilespmem:v0+s11+$0x1D0 ss:$0x1], $0xffff  }
0x27a: {  	v2 =	vld.idx.msk [tilespmem:v0+s11+$0x10 ss:$0x1], $0xffff  }
0x27b: {  	v3 =	vld.idx.msk [tilespmem:v0+s11+$0x50 ss:$0x1], $0xffff  }
0x27c: {  	v4 =	vld.idx.msk [tilespmem:v0+s11+$0x90 ss:$0x1], $0xffff  }
0x27d: {  	v5 =	vld.idx.msk [tilespmem:v0+s11+$0xD0 ss:$0x1], $0xffff  }
0x27e: {  	v6 =	vld.idx.msk [tilespmem:v0+s11+$0x110 ss:$0x1], $0xffff  }
0x27f: {  	v7 =	vld.idx.msk [tilespmem:v0+s11+$0x150 ss:$0x1], $0xffff  }
0x280: {  	[tilespmem:s11+$0xFED0] =	vst.add.f32.msk $0xffff, v1  }
0x281: {  	[tilespmem:s11+$0xFD10] =	vst.add.f32.msk $0xffff, v2  }
0x282: {  	[tilespmem:s11+$0xFD50] =	vst.add.f32.msk $0xffff, v3  }
0x283: {  	[tilespmem:s11+$0xFD90] =	vst.add.f32.msk $0xffff, v4  }
0x284: {  	[tilespmem:s11+$0xFDD0] =	vst.add.f32.msk $0xffff, v5  }
0x285: {  	[tilespmem:s11+$0xFE10] =	vst.add.f32.msk $0xffff, v6  }
0x286: {  	[tilespmem:s11+$0xFE50] =	vst.add.f32.msk $0xffff, v7  }
0x287: {  	v1 =	vld.idx.msk [tilespmem:v0+s11+$0x1E0 ss:$0x1], $0xffff  }
0x288: {  	v2 =	vld.idx.msk [tilespmem:v0+s11+$0x60 ss:$0x1], $0xffff  }
0x289: {  	v3 =	vld.idx.msk [tilespmem:v0+s11+$0xA0 ss:$0x1], $0xffff  }
0x28a: {  	v56 =	vld.idx.msk [tilespmem:v0+s11+$0xE0 ss:$0x1], $0xffff  }
0x28b: {  	v57 =	vld.idx.msk [tilespmem:v0+s11+$0x120 ss:$0x1], $0xffff  }
0x28c: {  	v58 =	vld.idx.msk [tilespmem:v0+s11+$0x160 ss:$0x1], $0xffff  }
0x28d: {  	[tilespmem:s11+$0xFEE0] =	vst.add.f32.msk $0xffff, v1  }
0x28e: {  	[tilespmem:s11+$0xFD60] =	vst.add.f32.msk $0xffff, v2  }
0x28f: {  	v1 =	vld.idx.msk [tilespmem:v0+s11+$0x1F0 ss:$0x1], $0xffff  }
0x290: {  	[tilespmem:s11+$0xFDA0] =	vst.add.f32.msk $0xffff, v3  }
0x291: {  	[tilespmem:s11+$0xFDE0] =	vst.add.f32.msk $0xffff, v56  }
0x292: {  	[tilespmem:s11+$0xFE20] =	vst.add.f32.msk $0xffff, v57  }
0x293: {  	[tilespmem:s11+$0xFE60] =	vst.add.f32.msk $0xffff, v58  }
0x294: {  	[tilespmem:s11+$0xFEF0] =	vst.add.f32.msk $0xffff, v1  }
0x295: {  	v1 =	vld.idx.msk [tilespmem:v0+s11+$0x190 ss:$0x1], $0xffff  }
0x296: {  	v3 =	vld.idx.msk [tilespmem:v0+s11+$0x70 ss:$0x1], $0xffff  }
0x297: {  	v60 =	vld.idx.msk [tilespmem:v0+s11+$0xB0 ss:$0x1], $0xffff  }
0x298: {  	v61 =	vld.idx.msk [tilespmem:v0+s11+$0xF0 ss:$0x1], $0xffff  }
0x299: {  	v62 =	vld.idx.msk [tilespmem:v0+s11+$0x130 ss:$0x1], $0xffff  }
0x29a: {  	[tilespmem:s11+$0xFE90] =	vst.add.f32.msk $0xffff, v1  }
0x29b: {  	v1 =	vld.idx.msk [tilespmem:v0+s11+$0x20 ss:$0x1], $0xffff  }
0x29c: {  	v59 =	vld.idx.msk [tilespmem:v0+s11+$0x1A0 ss:$0x1], $0xffff  }
0x29d: {  	v63 =	vld.idx.msk [tilespmem:v0+s11+$0x170 ss:$0x1], $0xffff  }
0x29e: {  	[tilespmem:s11+$0xFD70] =	vst.add.f32.msk $0xffff, v3  }
0x29f: {  	[tilespmem:s11+$0xFDB0] =	vst.add.f32.msk $0xffff, v60  }
0x2a0: {  	[tilespmem:s11+$0xFD20] =	vst.add.f32.msk $0xffff, v1  }
0x2a1: {  	[tilespmem:s11+$0xFEA0] =	vst.add.f32.msk $0xffff, v59  }
0x2a2: {  	v2 =	vld.idx.msk [tilespmem:v0+s11+$0x30 ss:$0x1], $0xffff  }
0x2a3: {  	v1 =	vld.idx.msk [tilespmem:v0+s11+$0x1B0 ss:$0x1], $0xffff  }
0x2a4: {  	[tilespmem:s11+$0xFDF0] =	vst.add.f32.msk $0xffff, v61  }
0x2a5: {  	[tilespmem:s11+$0xFE30] =	vst.add.f32.msk $0xffff, v62  }
0x2a6: {  	[tilespmem:s11+$0xFE70] =	vst.add.f32.msk $0xffff, v63  }
0x2a7: {  	s12 =	simm.s32 $0x0;
	s13 =	simm.s32 $0x800;
	[tilespmem:s11+$0xFD30] =	vst.add.f32.msk $0xffff, v2  }
.LBB2_11:
0x2a8: {  	s12 =	sadd.s32 $0x8, s12;
	[tilespmem:s11+$0xFEB0] =	vst.add.f32.msk $0xffff, v1;
	s11 =	sshra.s32 s13, $0x2  }
0x2a9: {  	v1 =	vld.idx.msk [tilespmem:v0+s11+$0x1C0 ss:$0x1], $0xffff;
	p1 =	slt.u32 s12, $0x78  }
0x2aa: {  	v2 =	vld.idx.msk [tilespmem:v0+s11+$0x0 ss:$0x1], $0xffff  }
0x2ab: {  	v3 =	vld.idx.msk [tilespmem:v0+s11+$0x40 ss:$0x1], $0xffff  }
0x2ac: {  	v4 =	vld.idx.msk [tilespmem:v0+s11+$0x80 ss:$0x1], $0xffff  }
0x2ad: {  	v5 =	vld.idx.msk [tilespmem:v0+s11+$0xC0 ss:$0x1], $0xffff  }
0x2ae: {  	v6 =	vld.idx.msk [tilespmem:v0+s11+$0x100 ss:$0x1], $0xffff  }
0x2af: {  	[tilespmem:s11+$0xFEC0] =	vst.add.f32.msk $0xffff, v1  }
0x2b0: {  	v1 =	vld.idx.msk [tilespmem:v0+s11+$0x1D0 ss:$0x1], $0xffff  }
0x2b1: {  	v7 =	vld.idx.msk [tilespmem:v0+s11+$0x140 ss:$0x1], $0xffff  }
0x2b2: {  	v8 =	vld.idx.msk [tilespmem:v0+s11+$0x180 ss:$0x1], $0xffff  }
0x2b3: {  	[tilespmem:s11+$0xFD00] =	vst.add.f32.msk $0xffff, v2  }
0x2b4: {  	[tilespmem:s11+$0xFD40] =	vst.add.f32.msk $0xffff, v3  }
0x2b5: {  	[tilespmem:s11+$0xFD80] =	vst.add.f32.msk $0xffff, v4  }
0x2b6: {  	[tilespmem:s11+$0xFED0] =	vst.add.f32.msk $0xffff, v1  }
0x2b7: {  	v1 =	vld.idx.msk [tilespmem:v0+s11+$0x1E0 ss:$0x1], $0xffff  }
0x2b8: {  	[tilespmem:s11+$0xFDC0] =	vst.add.f32.msk $0xffff, v5  }
0x2b9: {  	[tilespmem:s11+$0xFE00] =	vst.add.f32.msk $0xffff, v6  }
0x2ba: {  	[tilespmem:s11+$0xFE40] =	vst.add.f32.msk $0xffff, v7  }
0x2bb: {  	[tilespmem:s11+$0xFE80] =	vst.add.f32.msk $0xffff, v8  }
0x2bc: {  	v2 =	vld.idx.msk [tilespmem:v0+s11+$0x10 ss:$0x1], $0xffff  }
0x2bd: {  	[tilespmem:s11+$0xFEE0] =	vst.add.f32.msk $0xffff, v1  }
0x2be: {  	v1 =	vld.idx.msk [tilespmem:v0+s11+$0x1F0 ss:$0x1], $0xffff  }
0x2bf: {  	v3 =	vld.idx.msk [tilespmem:v0+s11+$0x50 ss:$0x1], $0xffff  }
0x2c0: {  	v4 =	vld.idx.msk [tilespmem:v0+s11+$0x90 ss:$0x1], $0xffff  }
0x2c1: {  	v5 =	vld.idx.msk [tilespmem:v0+s11+$0xD0 ss:$0x1], $0xffff  }
0x2c2: {  	v6 =	vld.idx.msk [tilespmem:v0+s11+$0x110 ss:$0x1], $0xffff  }
0x2c3: {  	v7 =	vld.idx.msk [tilespmem:v0+s11+$0x150 ss:$0x1], $0xffff  }
0x2c4: {  	[tilespmem:s11+$0xFEF0] =	vst.add.f32.msk $0xffff, v1  }
0x2c5: {  	v1 =	vld.idx.msk [tilespmem:v0+s11+$0x190 ss:$0x1], $0xffff  }
0x2c6: {  	[tilespmem:s11+$0xFD10] =	vst.add.f32.msk $0xffff, v2  }
0x2c7: {  	[tilespmem:s11+$0xFD50] =	vst.add.f32.msk $0xffff, v3  }
0x2c8: {  	[tilespmem:s11+$0xFD90] =	vst.add.f32.msk $0xffff, v4  }
0x2c9: {  	[tilespmem:s11+$0xFDD0] =	vst.add.f32.msk $0xffff, v5  }
0x2ca: {  	[tilespmem:s11+$0xFE10] =	vst.add.f32.msk $0xffff, v6  }
0x2cb: {  	[tilespmem:s11+$0xFE50] =	vst.add.f32.msk $0xffff, v7  }
0x2cc: {  	[tilespmem:s11+$0xFE90] =	vst.add.f32.msk $0xffff, v1  }
0x2cd: {  	v1 =	vld.idx.msk [tilespmem:v0+s11+$0x20 ss:$0x1], $0xffff  }
0x2ce: {  	v2 =	vld.idx.msk [tilespmem:v0+s11+$0x60 ss:$0x1], $0xffff  }
0x2cf: {  	v3 =	vld.idx.msk [tilespmem:v0+s11+$0xA0 ss:$0x1], $0xffff  }
0x2d0: {  	v4 =	vld.idx.msk [tilespmem:v0+s11+$0xE0 ss:$0x1], $0xffff  }
0x2d1: {  	v5 =	vld.idx.msk [tilespmem:v0+s11+$0x120 ss:$0x1], $0xffff  }
0x2d2: {  	v6 =	vld.idx.msk [tilespmem:v0+s11+$0x160 ss:$0x1], $0xffff  }
0x2d3: {  	v7 =	vld.idx.msk [tilespmem:v0+s11+$0x1A0 ss:$0x1], $0xffff  }
0x2d4: {  	[tilespmem:s11+$0xFD20] =	vst.add.f32.msk $0xffff, v1  }
0x2d5: {  	[tilespmem:s11+$0xFD60] =	vst.add.f32.msk $0xffff, v2  }
0x2d6: {  	[tilespmem:s11+$0xFDA0] =	vst.add.f32.msk $0xffff, v3  }
0x2d7: {  	[tilespmem:s11+$0xFDE0] =	vst.add.f32.msk $0xffff, v4  }
0x2d8: {  	[tilespmem:s11+$0xFE20] =	vst.add.f32.msk $0xffff, v5  }
0x2d9: {  	[tilespmem:s11+$0xFE60] =	vst.add.f32.msk $0xffff, v6  }
0x2da: {  	[tilespmem:s11+$0xFEA0] =	vst.add.f32.msk $0xffff, v7  }
0x2db: {  	v2 =	vld.idx.msk [tilespmem:v0+s11+$0x30 ss:$0x1], $0xffff  }
0x2dc: {  	v3 =	vld.idx.msk [tilespmem:v0+s11+$0x70 ss:$0x1], $0xffff  }
0x2dd: {  	v4 =	vld.idx.msk [tilespmem:v0+s11+$0xB0 ss:$0x1], $0xffff  }
0x2de: {  	v5 =	vld.idx.msk [tilespmem:v0+s11+$0xF0 ss:$0x1], $0xffff  }
0x2df: {  	v6 =	vld.idx.msk [tilespmem:v0+s11+$0x130 ss:$0x1], $0xffff  }
0x2e0: {  	v7 =	vld.idx.msk [tilespmem:v0+s11+$0x170 ss:$0x1], $0xffff  }
0x2e1: {  	v1 =	vld.idx.msk [tilespmem:v0+s11+$0x1B0 ss:$0x1], $0xffff  }
0x2e2: {  	[tilespmem:s11+$0xFD30] =	vst.add.f32.msk $0xffff, v2  }
.Ltmp6:
0x2e3: {  	[tilespmem:s11+$0xFD70] =	vst.add.f32.msk $0xffff, v3;
	(pc) =	sbr.rel @p1 .LBB2_11-.Ltmp6, $4  }
0x2e4: {  	[tilespmem:s11+$0xFDB0] =	vst.add.f32.msk $0xffff, v4  }
0x2e5: {  	[tilespmem:s11+$0xFDF0] =	vst.add.f32.msk $0xffff, v5  }
0x2e6: {  	[tilespmem:s11+$0xFE30] =	vst.add.f32.msk $0xffff, v6  }
0x2e7: {  	s13 =	sadd.s32 $0x800, s13;
	[tilespmem:s11+$0xFE70] =	vst.add.f32.msk $0xffff, v7  }
.Ltmp7:
0x2e8: {  	s9 =	sadd.s32 s3, s9;
	(pc) =	sbr.rel @p0 .LBB2_14-.Ltmp7, $4  }
0x2e9: {  	s9 =	sshll.u32 s9, $0x3  }
0x2ea: {  	s9 =	sand.u32 $0x1FFFFC00, s9  }
0x2eb: {  	[tilespmem:s11+$0xFEB0] =	vst.add.f32.msk $0xffff, v1;
	s9 =	sadd.s32 s2, s9  }
0x2ec: {  	[hbm4b:s9+s4] =	stream.linear.scatter [tilespmem:s18], [sflag:$0xA], $0x2000, $0x38;
	[tilespmem:$0x11D00] =	vst v63  }
0x2ed: {  	s9 =	smul.u32 $0xA00, s23;
	_ =	swait.ge [sflag:s24], $0x2000;
	s23 =	sadd.s32 $0x1, s23  }
0x2ee: {  	s30 =	sadd.s32 $0xA000, s30;
	s22 =	sadd.s32 $0x280, s22;
	s31 =	sadd.s32 $0xA000, s31  }
.Ltmp8:
0x2ef: {  	s8 =	sadd.s32 $0x280, s8;
	s1 =	sadd.s32 $0xA000, s1;
	(pc) =	sbr.rel .LBB2_2-.Ltmp8, $4  }
0x2f0: {  	s29 =	sadd.s32 $0x280, s29;
	s0 =	sadd.s32 $0xA000, s0;
	s10 =	sadd.s32 $0x280, s10  }
0x2f1: {  	s6 =	sadd.s32 $0xA000, s6;
	[sflag:s24] =	ssyncset.done $0x0;
	s9 =	sshra.s32 s9, $0x2  }
0x2f2: {  	s7 =	sadd.s32 $0x280, s7;
	[sflag:s24] =	ssyncadd.s32 $0xFFFFE000;
	s9 =	sadd.s32 $0x380, s9  }
0x2f3: {  	[tilespmem:s16], [sflag:$0x3] =	stream.indirect.gather [hbm4b:s5+s15], $0x40, s9, s15, $0xb8;
	[tilespmem:$0x11D00] =	vst v63  }
.LBB2_15:
0x2f4: {  	_ =	sfence.sel $0x180000  }
0x2f5: {  	[bflag:$0x0] =	sbarrier.arrive $0xFFFF  }
0x2f6: {  	_ =	strace $0x90000047  }
0x2f7: {  	s0 =	stileid.u32;
	[bflag:$0x2] =	sbarrier.arrive $0xFFFF  }
0x2f8: {  	p0 =	sne.s32 s0, $0x0;
	s0 =	rddreg [dreg:$0x2]  }
0x2f9: {  	s0 =	sadd.s32 @!p0 $0x100000, s0  }
0x2fa: {  	[sflag:s0] =	ssyncadd.tile.s32 @!p0 $0x1;
	_ =	shalt  }
.Lfunc_end2:
_tile_overlayer_lowered:
.L_overlay_start_2:
0x2fb: {  	(tag) =	ssettag $0x2  }
0x2fc: {  	s0 =	rddreg [dreg:$0x0];
	s2 =	stileid.u32  }
0x2fd: {  	s1 =	rddreg [dreg:$0x1];
	p0 =	sne.s32 s2, $0x0  }
0x2fe: {  	s3 =	rddreg [dreg:$0x2];
	[bflag:$0x3] =	sbarrier.arrive $0xFFFF;
	s2 =	simm.s32 @!p0 $0x1C0B  }
0x2ff: {  	[timem:s3], [sflag:s2] =	dma.local @!p0 [hbm:s0], s1  }
0x300: {  	s0 =	simm.s32 @!p0 $0xB  }
0x301: {  	_ =	swait.ge @!p0 [sflag:s0], s1  }
0x302: {  	s1 =	ssub.s32 @!p0 $0x0, s1;
	[sflag:s0] =	ssyncset.done @!p0 $0x0  }
0x303: {  	[sflag:s0] =	ssyncadd.s32 @!p0 s1  }
0x304: {  	[bflag:$0x3] =	sbarrier.arrive $0xFFFF  }
0x305: {  	_ =	shalt  }

// kernel: sparse-core-data-format-call.cloned.1.call-start
scs
called_computation_lowered:
.L_overlay_start_0:
0x0: {  	s2 =	sld [smem:$0x3FD9]  }
0x1: {  	s3 =	sld [smem:$0x3FFE];
	_ =	sdelay $0x1  }
0x2: {  	s1 =	srdreg.scid  }
0x3: {  	s0 =	sand.u32 $0x1, s1  }
0x4: {  	s18 =	sshll.u32 s0, $0xA;
	s2 =	sadd.s32 s3, s2  }
0x5: {  	s2 =	sadd.s32 s2, s18  }
0x6: {  	[smem:$0x3FC6] =	sst s2  }
0x7: {  	_ = 	snop  }
0x8: {  	s2 =	sld [smem:$0x3FD0];
	(tm) =	ssettm $0x1  }
0x9: {  	s19 =	sld [smem:$0x3FFB];
	_ =	sdelay $0x3  }
0xa: {  	_ =	strace s19  }
0xb: {  	s3 =	sld [smem:$0x3FFC];
	_ =	sdelay $0x3  }
0xc: {  	_ =	strace s3  }
0xd: {  	s3 =	sld [smem:$0x3FFD];
	_ =	sdelay $0x3  }
0xe: {  	_ =	strace s3  }
0xf: {  	_ =	strace $0x8FFFFFFF  }
0x10: {  	s20 =	sld [smem:$0x3FDB];
	_ =	sdelay $0x1  }
0x11: {  	s4 =	simm.s32 $_scs_section_size  }
0x12: {  	s5 =	simm.s32 $_size__tile_overlayer_lowered;
	s6 =	simm.s32 $_tile_overlayer_lowered  }
0x13: {  	s23 =	simm.s32 $0x1BFF;
	s22 =	sshll.u32 s6, $0x1;
	s3 =	sadd.s32 s4, s20  }
0x14: {  	s7 =	simm.s32 $0x0;
	s21 =	sshll.u32 s5, $0x1;
	s5 =	sadd.s32 s22, s3  }
0x15: {  	[timem:s7], [sflag:s23] =	dma.local [hbm:s5], s21  }
0x16: {  	_ =	swait.ge [sflag:s23], s21  }
0x17: {  	s4 =	ssub.s32 $0x0, s21;
	[sflag:s23] =	ssyncset.done $0x0  }
0x18: {  	[sflag:s23] =	ssyncadd.s32 s4;
	_ =	sdelay $0x1  }
0x19: {  	s24 =	simm.s32 $0x1B8B  }
0x1a: {  	_ =	swait.ge [sflag:s24], $0x1  }
0x1b: {  	[sflag:s24] =	ssyncset.done $0x0  }
0x1c: {  	s26 =	simm.s32 $0x1B8E;
	s25 =	sld [smem:$0x3FFE];
	[sflag:s24] =	ssyncadd.s32 $0xFFFFFFFF  }
0x1d: {  	s27 =	simm.s32 $execute0_lowered;
	[smem:$0x3FD2] =	sst s26  }
0x1e: {  	s5 =	sshll.u32 s27, $0x1;
	_ =	strace $0x80000049;
	[dreg:$0x1] =	wrdreg $0xFFFFFFFF  }
0x1f: {  	s28 =	simm.s32 $_size_execute0_lowered;
	s3 =	sadd.s32 s3, s5;
	[dreg:$0x0] =	wrdreg $0x0  }
0x20: {  	s5 =	sshll.u32 s28, $0x1;
	[dreg:$0x2] =	wrdreg s3  }
0x21: {  	[dreg:$0x3] =	wrdreg s5  }
0x22: {  	[dreg:$0x4] =	wrdreg $0xC0  }
0x23: {  	_ =	task [dreg:s7], $0x5FFFF  }
0x24: {  	[dreg:$0x1] =	wrdreg $0xFFFFFFFF  }
0x25: {  	[dreg:$0x0] =	wrdreg $0x60  }
0x26: {  	[dreg:$0x2] =	wrdreg s25  }
0x27: {  	[dreg:$0x3] =	wrdreg s2  }
0x28: {  	[dreg:$0x4] =	wrdreg $0x9  }
0x29: {  	_ =	task.clear_ibuf [dreg:s7], $0x5FFFF;
	_ =	strace $0x90000049  }
0x2a: {  	s29 =	simm.s32 $0x9;
	_ =	strace $0x8000004B  }
0x2b: {  	_ =	swait.ge [sflag:s29], $0x1  }
0x2c: {  	[sflag:s29] =	ssyncadd.s32 $0xFFFFFFFF  }
0x2d: {  	_ =	strace $0x9000004B  }
0x2e: {  	_ =	sfence  }
0x2f: {  	s30 =	sld [smem:$0x0];
	_ =	sdelay $0x2  }
0x30: {  	s31 =	sshll.u32 s1, $0xD;
	s1 =	sshrl.u32 s1, $0x2  }
0x31: {  	s3 =	sand.u32 $0x4000, s31;
	s1 =	sadd.s32 s1, s30  }
0x32: {  	s0 =	sor.u32 s3, s0;
	s1 =	sshll.u32 s1, $0x11  }
0x33: {  	s0 =	sor.u32 s1, s0  }
0x34: {  	s0 =	sadd.s32 $0x8F2B, s0  }
0x35: {  	[sflag:s0] =	ssyncadd.remote.s32 $0x1  }
0x36: {  	_ =	sfence.sel $0xFFFF  }
0x37: {  	[dreg:$0x0] =	wrdreg $0xFFFFFFFF;
	(pc) =	sbr.abs _section_cstart, $3  }
0x38: {  	[dreg:$0x1] =	wrdreg $0xFFFFFFFF  }
0x39: {  	_ =	task.clear_ibuf [dreg:s7], $0x2FFFF;
	_ =	strace $0x9FFFFFFF  }
0x3a: {  	(tm) =	ssettm $0x7FFFFFFF  }
0x3b: {  	_ =	shalt  }
tec
execute0_lowered:
.L_overlay_start_1:
0x0: {  	(tag) =	ssettag $0x1  }
0x1: {  	s0 =	stileid.u32;
	s6 =	rddreg [dreg:$0x0]  }
0x2: {  	s2 =	rddreg [dreg:$0x1];
	s5 =	srdreg.scid  }
0x3: {  	s31 =	simm.s32 $0x2;
	s13 =	simm.s32 $0x0;
	s1 =	sshll.u32 s0, $0x7  }
0x4: {  	s14 =	simm.s32 $0x0;
	s12 =	simm.s32 $0x0;
	s3 =	sand.u32 $0x380, s1  }
0x5: {  	s5 =	sshll.u32 s5, $0x4;
	s6 =	sadd.s32 $0xC00, s6;
	s4 =	ssub.s32 $0x400, s3  }
0x6: {  	s1 =	rddreg [dreg:$0x2];
	_ =	strace $0x8000004A;
	s7 =	sand.u32 $0x380, s4  }
0x7: {  	s5 =	sand.u32 $0x10, s5;
	p0 =	sne.s32 s7, $0x0;
	s7 =	simm.s32 $0x1  }
.Ltmp0:
0x8: {  	s8 =	sshrl.u32 s4, $0xA;
	s7 =	simm.s32 @!p0 $0x0;
	(pc) =	sbr.rel .LBB1_1-.Ltmp0, $4  }
0x9: {  	s9 =	sor.u32 s0, s5;
	s4 =	simm.s32 $0x1;
	s30 =	sadd.s32 s7, s8  }
0xa: {  	s11 =	smov.u32 s3;
	[sflag:s4] =	ssyncpa.u1 $0x0;
	s5 =	smul.u32 $0x32, s30  }
0xb: {  	[sflag:s31] =	ssyncpa.u1 $0x0;
	p0 =	por $0x0, $0x0;
	s7 =	sshrl.u32 s9, $0x3  }
0xc: {  	s9 =	simm.s32 $0x2000;
	s10 =	smov.u32 s7;
	s8 =	sor.u32 $0x1, s5  }
.LBB1_4:
0xd: {  	s17 =	sand.u32 $0x1F80, s14;
	s13 =	sshll.u32 s13, $0xD  }
0xe: {  	[tilespmem:s16+$0x810 ss:$0x81] =	vst.msk $0xffff, v2;
	s18 =	sshrl.u32 s14, $0x3;
	s31 =	sand.u32 $0x7, s14;
	s17 =	sadd.s32 s2, s17  }
0xf: {  	[tilespmem:s16+$0x1020 ss:$0x81] =	vst.msk $0xffff, v0;
	s18 =	sand.u32 $0xF, s18;
	s14 =	sshll.u32 s31, $0x12;
	s13 =	sadd.s32 s13, s17  }
0x10: {  	[tilespmem:s16+$0x0 ss:$0x81] =	vst.msk $0xffff, v1;
	s14 =	sor.u32 $0x400, s14;
	s13 =	sadd.s32 s18, s13  }
0x11: {  	[hbm4b:s13+s14] =	stream.strided.scatter [tilespmem:s15], [sflag:$0x2], $0x2000, s9, s14, $0x20;
	[tilespmem:$0x8080] =	vst v63  }
.LBB1_5:
0x12: {  	s15 =	sadd.s32 $0x4, s10  }
0x13: {  	s13 =	sadd.s32 $0x400, s11;
	s17 =	smov.u32 s11;
	p2 =	sgt.s32 s15, $0xC7  }
0x14: {  	s17 =	smov.u32 @p2 s13  }
0x15: {  	s15 =	smov.u32 @p2 s7;
	p2 =	sgt.s32 s17, $0x3FF  }
0x16: {  	s17 =	smov.u32 @p2 s3;
	p2 =	sne.s32 s12, s8  }
.Ltmp1:
0x17: {  	p1 =	slt.u32 s12, $0x2;
	(pc) =	sbr.rel @!p2 .LBB1_6-.Ltmp1, $4  }
0x18: {  	s16 =	simm.s32 @!p1 $0x2  }
0x19: {  	s14 =	smov.u32 s11;
	p0 =	por !p0, !p0;
	_ =	swait.ge @!p1 [sflag:s16], $0x2000  }
0x1a: {  	s13 =	smov.u32 s10;
	[sflag:s16] =	ssyncset.done @!p1 $0x0;
	s10 =	smov.u32 s15  }
0x1b: {  	s12 =	sadd.s32 $0x1, s12;
	[sflag:s16] =	ssyncadd.s32 @!p1 $0xFFFFE000;
	s11 =	smov.u32 s17  }
.LBB1_1:
0x1c: {  	p1 =	sge.u32 s12, s5  }
0x1d: {  	s15 =	sand.u32 @!p1 $0x1FFFFFF, s10  }
0x1e: {  	s16 =	smulhi.u32 @!p1 $0x147AE15, s15;
	_ =	sdelay $0x1  }
0x1f: {  	s16 =	smul.u32 @!p1 $0xC8, s16  }
0x20: {  	s17 =	sxor.u32 @!p1 $0xFFFFFFFF, s12;
	s18 =	smul.u32 @!p1 $0xC80, s11  }
0x21: {  	s31 =	sadd.s32 $0xFFFFFFFF, s12;
	s17 =	sshll.u32 @!p1 s17, $0xD;
	s15 =	ssub.s32 @!p1 s15, s16  }
0x22: {  	s16 =	sand.u32 @!p1 $0x2000, s17;
	s17 =	sadd.s32 @!p1 s6, s18;
	s15 =	sshll.u32 @!p1 s15, $0x4  }
0x23: {  	s18 =	simm.s32 @!p1 $0x6400;
	s15 =	sadd.s32 @!p1 s15, s17;
	s17 =	simm.s32 @!p1 $0x40  }
0x24: {  	[tilespmem:s16], [sflag:$0x1] =	stream.strided.gather @!p1 [hbm4b:s15+s17], $0x2000, s18, s17, $0x38;
	[tilespmem:$0x8080] =	vst v63  }
0x25: {  	p1 =	sge.u32 s31, s5  }
.Ltmp2:
0x26: {  	_ = 	snop;
	(pc) =	sbr.rel @p1 .LBB1_5-.Ltmp2, $1  }
0x27: {  	_ =	sdelay $0x3  }
0x28: {  	s15 =	simm.s32 $0x1  }
0x29: {  	_ =	swait.ge [sflag:s4], $0x2000;
	s15 =	simm.s32 @!p0 $0x0  }
0x2a: {  	[sflag:s4] =	ssyncset.done $0x0;
	s16 =	sshll.u32 s15, $0xD  }
0x2b: {  	[sflag:s4] =	ssyncadd.s32 $0xFFFFE000;
	s19 =	sor.u32 $0x20, s16  }
0x2c: {  	s15 =	smul.u32 $0x8100, s15;
	v3 =	vld [tilespmem:s19+$0x10]  }
0x2d: {  	s30 =	sand.u32 $0x1, s12;
	v2 =	vld [tilespmem:s19+$0xFFFFFFF0]  }
0x2e: {  	s16 =	smul.u32 $0x8100, s30;
	s15 =	sshrl.u32 s15, $0x2;
	v0 =	vld [tilespmem:s19+$0x0]  }
0x2f: {  	v1 =	vld [tilespmem:s19+$0xFFFFFFE0];
	s17 =	sor.u32 $0x4000, s15  }
0x30: {  	s31 =	sshrl.u32 s16, $0x2;
	s16 =	sadd.s32 $0x0, s17  }
0x31: {  	s18 =	simm.s32 $0x4;
	s19 =	sadd.s32 $0x40, s19;
	s15 =	sor.u32 $0x4000, s31;
	[tilespmem:s16+$0x1830 ss:$0x81] =	vst.msk $0xffff, v3  }
.LBB1_3:
0x32: {  	v3 =	vld [tilespmem:s19+$0x10];
	p1 =	sne.s32 s18, $0x1FC;
	[tilespmem:s16+$0x810 ss:$0x81] =	vst.msk $0xffff, v2;
	s20 =	smov.u32 s18;
	s18 =	sadd.s32 $0x4, s18  }
.Ltmp3:
0x33: {  	v2 =	vld [tilespmem:s19+$0xFFFFFFF0];
	[tilespmem:s16+$0x1020 ss:$0x81] =	vst.msk $0xffff, v0;
	(pc) =	sbr.rel @p1 .LBB1_3-.Ltmp3, $4  }
0x34: {  	v0 =	vld [tilespmem:s19+$0x0];
	[tilespmem:s16+$0x0 ss:$0x81] =	vst.msk $0xffff, v1  }
0x35: {  	s16 =	sshra.s32 s20, $0x2;
	v1 =	vld [tilespmem:s19+$0xFFFFFFE0]  }
0x36: {  	s16 =	sadd.s32 s16, s17  }
0x37: {  	s19 =	sadd.s32 $0x40, s19;
	[tilespmem:s16+$0x1830 ss:$0x81] =	vst.msk $0xffff, v3  }
.Ltmp4:
0x38: {  	_ = 	snop;
	(pc) =	sbr.rel .LBB1_4-.Ltmp4, $1  }
0x39: {  	_ =	sdelay $0x3  }
.LBB1_6:
0x3a: {  	_ =	sfence.sel $0x180000  }
0x3b: {  	s2 =	simm.s32 $0x1;
	[bflag:$0x0] =	sbarrier.arrive $0xFFFF  }
0x3c: {  	s31 =	simm.s32 $0x2;
	[sflag:s2] =	ssyncpa.u1 $0x1  }
0x3d: {  	[sflag:s31] =	ssyncpa.u1 $0x1  }
0x3e: {  	p0 =	sne.s32 s0, $0x0;
	_ =	strace $0x9000004A  }
0x3f: {  	s0 =	sadd.s32 @!p0 $0x100000, s1;
	[bflag:$0x2] =	sbarrier.arrive $0xFFFF  }
0x40: {  	[sflag:s0] =	ssyncadd.tile.s32 @!p0 $0x1;
	_ =	shalt  }
.Lfunc_end1:
_tile_overlayer_lowered:
.L_overlay_start_2:
0x41: {  	(tag) =	ssettag $0x2  }
0x42: {  	s0 =	rddreg [dreg:$0x0];
	s2 =	stileid.u32  }
0x43: {  	s1 =	rddreg [dreg:$0x1];
	p0 =	sne.s32 s2, $0x0  }
0x44: {  	s3 =	rddreg [dreg:$0x2];
	[bflag:$0x3] =	sbarrier.arrive $0xFFFF;
	s2 =	simm.s32 @!p0 $0x1C01  }
0x45: {  	[timem:s3], [sflag:s2] =	dma.local @!p0 [hbm:s0], s1  }
0x46: {  	s0 =	simm.s32 @!p0 $0x1  }
0x47: {  	_ =	swait.ge @!p0 [sflag:s0], s1  }
0x48: {  	s1 =	ssub.s32 @!p0 $0x0, s1;
	[sflag:s0] =	ssyncset.done @!p0 $0x0  }
0x49: {  	[sflag:s0] =	ssyncadd.s32 @!p0 s1  }
0x4a: {  	[bflag:$0x3] =	sbarrier.arrive $0xFFFF  }
0x4b: {  	_ =	shalt  }

</sc_bundles>
